<compile_context>
chip_gen: v7x
topology: tpu7x:2x2x1
jax: 0.10.2.dev20260603
libtpu: 0.0.44.dev20260713+nightly
codegen_flags: <defaults>
</compile_context>

<pallas_src>
import functools

import jax
import jax.numpy as jnp
from jax import lax
from jax.experimental import pallas as pl
from jax.experimental.pallas import tpu as pltpu
from jax.experimental.pallas import tpu_sc as plsc

B = 16
L = 8192
V = 4
PAD = 5000
LOUT = L + 2 * PAD
HALF = L // 2
ZROW = 5120
LANES = 16


def _zero_template(zpad_v):
    zeros16 = jnp.zeros((LANES,), jnp.float32)

    def body(i, c):
        base = i * (8 * LANES)
        for u in range(8):
            zpad_v[pl.ds(base + u * LANES, LANES)] = zeros16
        return c

    lax.fori_loop(0, ZROW // (8 * LANES), body, 0)


def _compute_half(ids_v, mask_v, data_v):
    def body(i, c):
        base = i * (8 * LANES)
        for u in range(8):
            off = base + u * LANES
            ids16 = ids_v[pl.ds(off, LANES)]
            m16 = mask_v[pl.ds(off, LANES)]
            for v in range(V):
                data_v[pl.ds(v * HALF + off, LANES)] = jnp.where(
                    ids16 == v, m16, 0.0
                )
        return c

    lax.fori_loop(0, HALF // (8 * LANES), body, 0)


@functools.partial(
    pl.kernel,
    mesh=plsc.VectorSubcoreMesh(core_axis_name="c", subcore_axis_name="s"),
    out_type=jax.ShapeDtypeStruct((B * V * LOUT,), jnp.float32),
    scratch_types=[
        pltpu.VMEM((HALF,), jnp.int32),
        pltpu.VMEM((HALF,), jnp.float32),
        pltpu.VMEM((V * HALF,), jnp.float32),
        pltpu.VMEM((ZROW,), jnp.float32),
        pltpu.SemaphoreType.DMA,
        pltpu.SemaphoreType.DMA,
    ],
)
def _one_hot_pad_sc(
    ids_hbm, mask_hbm, out_hbm, ids_v, mask_v, data_v, zpad_v, in_sem, out_sem
):
    info = plsc.get_sparse_core_info()
    wid = lax.axis_index("s") * info.num_cores + lax.axis_index("c")
    b = wid // 2
    h = wid % 2

    in_off = pl.multiple_of(b * L + h * HALF, HALF)
    ids_cp = pltpu.async_copy(ids_hbm.at[pl.ds(in_off, HALF)], ids_v, in_sem)
    mask_cp = pltpu.async_copy(
        mask_hbm.at[pl.ds(in_off, HALF)], mask_v, in_sem
    )

    _zero_template(zpad_v)

    pad_cps = []
    for v in range(V):
        row_off = (b * V + v) * LOUT
        pad_off = pl.multiple_of(row_off + h * (PAD + L), 8)
        pad_cps.append(
            pltpu.async_copy(
                zpad_v.at[pl.ds(0, PAD)], out_hbm.at[pl.ds(pad_off, PAD)],
                out_sem,
            )
        )

    ids_cp.wait()
    mask_cp.wait()
    _compute_half(ids_v, mask_v, data_v)

    data_cps = []
    for v in range(V):
        row_off = (b * V + v) * LOUT
        data_off = pl.multiple_of(row_off + PAD + h * HALF, 8)
        data_cps.append(
            pltpu.async_copy(
                data_v.at[pl.ds(v * HALF, HALF)],
                out_hbm.at[pl.ds(data_off, HALF)],
                out_sem,
            )
        )

    for cp in pad_cps:
        cp.wait()
    for cp in data_cps:
        cp.wait()


def kernel(input_ids, attention_mask):
    ids = input_ids.astype(jnp.int32).reshape(B * L)
    mask = attention_mask.astype(jnp.float32).reshape(B * L)
    out_flat = _one_hot_pad_sc(ids, mask)
    return out_flat.reshape(B, V, LOUT)

# --- scband reference (transcript-rebuilt; emitter-appended) ---
"""Pipeline reference for scband-splice-ai-embedding-17325898072617 (READ-ONLY COPY).

The authoritative reference and input builder live on the scoring server;
editing this copy changes nothing except your own understanding.
"""

import jax, jax.numpy as jnp
import numpy as np

VOCAB_SIZE = 4
NUM_TOKENS = VOCAB_SIZE + 1
CONTEXT = 10000
PADDING = CONTEXT // 2


def setup_inputs(seed: int = 0) -> dict:
    key = jax.random.key(seed)
    k1, k2 = jax.random.split(key)
    input_ids = jax.random.randint(k1, (16, 8192), 0, NUM_TOKENS, dtype=jnp.int64 if jax.config.read('jax_enable_x64') else jnp.int32)
    attention_mask = jnp.ones((16, 8192), dtype=jnp.float32)
    return {"input_ids": input_ids, "attention_mask": attention_mask}


def reference(input_ids, attention_mask):
    # one_hot over num_tokens, drop the last (padding) class -> [B, L, vocab_size]
    inputs_embeds = jax.nn.one_hot(input_ids, NUM_TOKENS, dtype=jnp.float32)[..., :VOCAB_SIZE]
    # apply attention mask
    inputs_embeds = (inputs_embeds * attention_mask[..., None]).astype(jnp.float32)
    batch_size = inputs_embeds.shape[0]
    # [B, vocab, L]
    inputs_embeds = jnp.transpose(inputs_embeds, (0, 2, 1))
    padding = jnp.zeros((batch_size, VOCAB_SIZE, PADDING), dtype=jnp.float32)
    inputs_embeds = jnp.concatenate([padding, inputs_embeds, padding], axis=2)
    return inputs_embeds

if __name__ == "__main__":
    import jax
    _d = setup_inputs()
    print(jax.jit(kernel)(*tuple(_d.values())))

</pallas_src>

<mosaic_0001>
#map = affine_map<(d0, d1) -> (0)>
module attributes {stable_mosaic.version = 14 : i64} {
  func.func @_one_hot_pad_sc(%arg0: i32, %arg1: i32, %arg2: memref<131072xi32, #tpu.memory_space<hbm>>, %arg3: memref<131072xf32, #tpu.memory_space<hbm>>, %arg4: memref<1164288xf32, #tpu.memory_space<hbm>>, %arg5: memref<4096xi32, #tpu.memory_space<vmem>>, %arg6: memref<4096xf32, #tpu.memory_space<vmem>>, %arg7: memref<16384xf32, #tpu.memory_space<vmem>>, %arg8: memref<5120xf32, #tpu.memory_space<vmem>>, %arg9: memref<!tpu.dma_semaphore, #tpu.memory_space<semaphore_mem>>, %arg10: memref<!tpu.dma_semaphore, #tpu.memory_space<semaphore_mem>>) attributes {dimension_semantics = [#tpu.dimension_semantics<core_parallel>, #tpu.dimension_semantics<subcore_parallel>], iteration_bounds = array<i64: 2, 16>, scalar_prefetch = 0 : i64, scratch_operands = 6 : i64, tpu.core_type = #tpu.core_type<sc_vector_subcore>, window_params = [{transform_indices = #map}, {transform_indices = #map}, {transform_indices = #map}]} {
    %mul3A = arith.constant 2 : i32
    %mul3A_0 = arith.muli %arg1, %mul3A : i32
    %add3A = arith.addi %mul3A_0, %arg0 : i32
    %jit3A = arith.constant 2 : i32
    %div3A = arith.divsi %add3A, %jit3A : i32
    %sign3A = arith.constant 0 : i32
    %sign3A_1 = arith.cmpi sgt, %add3A, %sign3A : i32
    %sign3A_2 = arith.extui %sign3A_1 : i1 to i32
    %sign3A_3 = arith.constant 0 : i32
    %sign3A_4 = arith.cmpi slt, %add3A, %sign3A_3 : i32
    %sign3A_5 = arith.extui %sign3A_4 : i1 to i32
    %sign3A_6 = arith.subi %sign3A_2, %sign3A_5 : i32
    %sign3A_7 = arith.constant 0 : i32
    %sign3A_8 = arith.cmpi sgt, %jit3A, %sign3A_7 : i32
    %sign3A_9 = arith.extui %sign3A_8 : i1 to i32
    %sign3A_10 = arith.constant 0 : i32
    %sign3A_11 = arith.cmpi slt, %jit3A, %sign3A_10 : i32
    %sign3A_12 = arith.extui %sign3A_11 : i1 to i32
    %sign3A_13 = arith.subi %sign3A_9, %sign3A_12 : i32
    %ne3A = arith.cmpi ne, %sign3A_6, %sign3A_13 : i32
    %rem3A = arith.remsi %add3A, %jit3A : i32
    %ne3A_14 = arith.constant 0 : i32
    %ne3A_15 = arith.cmpi ne, %rem3A, %ne3A_14 : i32
    %and3A = arith.andi %ne3A, %ne3A_15 : i1
    %sub3A = arith.constant 1 : i32
    %sub3A_16 = arith.subi %div3A, %sub3A : i32
    %select_n3A = arith.select %and3A, %sub3A_16, %div3A : i32
    %jit3A_17 = arith.constant 2 : i32
    %eq3A = arith.constant 0 : i32
    %eq3A_18 = arith.cmpi eq, %jit3A_17, %eq3A : i32
    %jit3A_19 = arith.constant 1 : i32
    %select_n3A_20 = arith.select %eq3A_18, %jit3A_19, %jit3A_17 : i32
    %rem3A_21 = arith.remsi %add3A, %select_n3A_20 : i32
    %ne3A_22 = arith.constant 0 : i32
    %ne3A_23 = arith.cmpi ne, %rem3A_21, %ne3A_22 : i32
    %lt3A = arith.constant 0 : i32
    %lt3A_24 = arith.cmpi slt, %rem3A_21, %lt3A : i32
    %lt3A_25 = arith.constant 0 : i32
    %lt3A_26 = arith.cmpi slt, %select_n3A_20, %lt3A_25 : i32
    %ne3A_27 = arith.xori %lt3A_24, %lt3A_26 : i1
    %and3A_28 = arith.andi %ne3A_27, %ne3A_23 : i1
    %add3A_29 = arith.addi %rem3A_21, %select_n3A_20 : i32
    %select_n3A_30 = arith.select %and3A_28, %add3A_29, %rem3A_21 : i32
    %mul3A_31 = arith.constant 8192 : i32
    %mul3A_32 = arith.muli %select_n3A, %mul3A_31 : i32
    %mul3A_33 = arith.constant 4096 : i32
    %mul3A_34 = arith.muli %select_n3A_30, %mul3A_33 : i32
    %add3A_35 = arith.addi %mul3A_32, %mul3A_34 : i32
    %multiple_of3A = tpu.assume_multiple %add3A_35, 4096 : i32
    %dma_start3A = tpu.memref_slice %arg2[%multiple_of3A] : memref<131072xi32, #tpu.memory_space<hbm>> -> memref<4096xi32, #tpu.memory_space<hbm>>
    %dma_start3A_36 = tpu.memref_slice %arg2[%multiple_of3A] : memref<131072xi32, #tpu.memory_space<hbm>> -> memref<4096xi32, #tpu.memory_space<hbm>>
    tpu.enqueue_dma source(%dma_start3A_36 : memref<4096xi32, #tpu.memory_space<hbm>>) target(%arg5 : memref<4096xi32, #tpu.memory_space<vmem>>) target_semaphore(%arg9 : memref<!tpu.dma_semaphore, #tpu.memory_space<semaphore_mem>>)
    %dma_start3A_37 = tpu.memref_slice %arg3[%multiple_of3A] : memref<131072xf32, #tpu.memory_space<hbm>> -> memref<4096xf32, #tpu.memory_space<hbm>>
    %dma_start3A_38 = tpu.memref_slice %arg3[%multiple_of3A] : memref<131072xf32, #tpu.memory_space<hbm>> -> memref<4096xf32, #tpu.memory_space<hbm>>
    tpu.enqueue_dma source(%dma_start3A_38 : memref<4096xf32, #tpu.memory_space<hbm>>) target(%arg6 : memref<4096xf32, #tpu.memory_space<vmem>>) target_semaphore(%arg9 : memref<!tpu.dma_semaphore, #tpu.memory_space<semaphore_mem>>)
    %broadcast_in_dim3A = arith.constant 0.000000e+00 : f32
    %broadcast_in_dim3A_39 = vector.broadcast %broadcast_in_dim3A : f32 to vector<16xf32>
    %scan3A = arith.constant 0 : i32
    %scan3A_40 = arith.constant 0 : i32
    %scan3A_41 = arith.constant 40 : i32
    %scan3A_42 = arith.addi %scan3A_40, %scan3A_41 : i32
    %scan3A_43 = arith.constant 1 : i32
    scf.for %scan3A_238 = %scan3A_40 to %scan3A_42 step %scan3A_43  : i32 {
      %mul3A_239 = arith.constant 128 : i32
      %mul3A_240 = arith.muli %scan3A_238, %mul3A_239 : i32
      %add3A_241 = arith.constant 0 : i32
      %add3A_242 = arith.addi %mul3A_240, %add3A_241 : i32
      %swap3A = arith.index_cast %add3A_242 : i32 to index
      %swap3A_243 = tpu.vector_load %arg8[%swap3A] {strides = array<i32>} : memref<5120xf32, #tpu.memory_space<vmem>>, vector<16xf32>,
      %swap3A_244 = vector.shape_cast %swap3A_243 : vector<16xf32> to vector<16xf32>
      %swap3A_245 = vector.shape_cast %broadcast_in_dim3A_39 : vector<16xf32> to vector<16xf32>
      tpu.vector_store %arg8[%swap3A], %swap3A_245 {strides = array<i32>} : memref<5120xf32, #tpu.memory_space<vmem>>, vector<16xf32>,
      %add3A_246 = arith.constant 16 : i32
      %add3A_247 = arith.addi %mul3A_240, %add3A_246 : i32
      %swap3A_248 = arith.index_cast %add3A_247 : i32 to index
      %swap3A_249 = tpu.vector_load %arg8[%swap3A_248] {strides = array<i32>} : memref<5120xf32, #tpu.memory_space<vmem>>, vector<16xf32>,
      %swap3A_250 = vector.shape_cast %swap3A_249 : vector<16xf32> to vector<16xf32>
      %swap3A_251 = vector.shape_cast %broadcast_in_dim3A_39 : vector<16xf32> to vector<16xf32>
      tpu.vector_store %arg8[%swap3A_248], %swap3A_251 {strides = array<i32>} : memref<5120xf32, #tpu.memory_space<vmem>>, vector<16xf32>,
      %add3A_252 = arith.constant 32 : i32
      %add3A_253 = arith.addi %mul3A_240, %add3A_252 : i32
      %swap3A_254 = arith.index_cast %add3A_253 : i32 to index
      %swap3A_255 = tpu.vector_load %arg8[%swap3A_254] {strides = array<i32>} : memref<5120xf32, #tpu.memory_space<vmem>>, vector<16xf32>,
      %swap3A_256 = vector.shape_cast %swap3A_255 : vector<16xf32> to vector<16xf32>
      %swap3A_257 = vector.shape_cast %broadcast_in_dim3A_39 : vector<16xf32> to vector<16xf32>
      tpu.vector_store %arg8[%swap3A_254], %swap3A_257 {strides = array<i32>} : memref<5120xf32, #tpu.memory_space<vmem>>, vector<16xf32>,
      %add3A_258 = arith.constant 48 : i32
      %add3A_259 = arith.addi %mul3A_240, %add3A_258 : i32
      %swap3A_260 = arith.index_cast %add3A_259 : i32 to index
      %swap3A_261 = tpu.vector_load %arg8[%swap3A_260] {strides = array<i32>} : memref<5120xf32, #tpu.memory_space<vmem>>, vector<16xf32>,
      %swap3A_262 = vector.shape_cast %swap3A_261 : vector<16xf32> to vector<16xf32>
      %swap3A_263 = vector.shape_cast %broadcast_in_dim3A_39 : vector<16xf32> to vector<16xf32>
      tpu.vector_store %arg8[%swap3A_260], %swap3A_263 {strides = array<i32>} : memref<5120xf32, #tpu.memory_space<vmem>>, vector<16xf32>,
      %add3A_264 = arith.constant 64 : i32
      %add3A_265 = arith.addi %mul3A_240, %add3A_264 : i32
      %swap3A_266 = arith.index_cast %add3A_265 : i32 to index
      %swap3A_267 = tpu.vector_load %arg8[%swap3A_266] {strides = array<i32>} : memref<5120xf32, #tpu.memory_space<vmem>>, vector<16xf32>,
      %swap3A_268 = vector.shape_cast %swap3A_267 : vector<16xf32> to vector<16xf32>
      %swap3A_269 = vector.shape_cast %broadcast_in_dim3A_39 : vector<16xf32> to vector<16xf32>
      tpu.vector_store %arg8[%swap3A_266], %swap3A_269 {strides = array<i32>} : memref<5120xf32, #tpu.memory_space<vmem>>, vector<16xf32>,
      %add3A_270 = arith.constant 80 : i32
      %add3A_271 = arith.addi %mul3A_240, %add3A_270 : i32
      %swap3A_272 = arith.index_cast %add3A_271 : i32 to index
      %swap3A_273 = tpu.vector_load %arg8[%swap3A_272] {strides = array<i32>} : memref<5120xf32, #tpu.memory_space<vmem>>, vector<16xf32>,
      %swap3A_274 = vector.shape_cast %swap3A_273 : vector<16xf32> to vector<16xf32>
      %swap3A_275 = vector.shape_cast %broadcast_in_dim3A_39 : vector<16xf32> to vector<16xf32>
      tpu.vector_store %arg8[%swap3A_272], %swap3A_275 {strides = array<i32>} : memref<5120xf32, #tpu.memory_space<vmem>>, vector<16xf32>,
      %add3A_276 = arith.constant 96 : i32
      %add3A_277 = arith.addi %mul3A_240, %add3A_276 : i32
      %swap3A_278 = arith.index_cast %add3A_277 : i32 to index
      %swap3A_279 = tpu.vector_load %arg8[%swap3A_278] {strides = array<i32>} : memref<5120xf32, #tpu.memory_space<vmem>>, vector<16xf32>,
      %swap3A_280 = vector.shape_cast %swap3A_279 : vector<16xf32> to vector<16xf32>
      %swap3A_281 = vector.shape_cast %broadcast_in_dim3A_39 : vector<16xf32> to vector<16xf32>
      tpu.vector_store %arg8[%swap3A_278], %swap3A_281 {strides = array<i32>} : memref<5120xf32, #tpu.memory_space<vmem>>, vector<16xf32>,
      %add3A_282 = arith.constant 112 : i32
      %add3A_283 = arith.addi %mul3A_240, %add3A_282 : i32
      %swap3A_284 = arith.index_cast %add3A_283 : i32 to index
      %swap3A_285 = tpu.vector_load %arg8[%swap3A_284] {strides = array<i32>} : memref<5120xf32, #tpu.memory_space<vmem>>, vector<16xf32>,
      %swap3A_286 = vector.shape_cast %swap3A_285 : vector<16xf32> to vector<16xf32>
      %swap3A_287 = vector.shape_cast %broadcast_in_dim3A_39 : vector<16xf32> to vector<16xf32>
      tpu.vector_store %arg8[%swap3A_284], %swap3A_287 {strides = array<i32>} : memref<5120xf32, #tpu.memory_space<vmem>>, vector<16xf32>,
    }
    %scan3A_44 = arith.constant 40 : i32
    %mul3A_45 = arith.constant 4 : i32
    %mul3A_46 = arith.muli %select_n3A, %mul3A_45 : i32
    %add3A_47 = arith.constant 0 : i32
    %add3A_48 = arith.addi %mul3A_46, %add3A_47 : i32
    %mul3A_49 = arith.constant 18192 : i32
    %mul3A_50 = arith.muli %add3A_48, %mul3A_49 : i32
    %mul3A_51 = arith.constant 13192 : i32
    %mul3A_52 = arith.muli %select_n3A_30, %mul3A_51 : i32
    %add3A_53 = arith.addi %mul3A_50, %mul3A_52 : i32
    %multiple_of3A_54 = tpu.assume_multiple %add3A_53, 8 : i32
    %dma_start3A_55 = arith.constant 0 : i32
    %dma_start3A_56 = tpu.memref_slice %arg8[%dma_start3A_55] : memref<5120xf32, #tpu.memory_space<vmem>> -> memref<5000xf32, #tpu.memory_space<vmem>>
    %dma_start3A_57 = tpu.memref_slice %arg4[%multiple_of3A_54] : memref<1164288xf32, #tpu.memory_space<hbm>> -> memref<5000xf32, #tpu.memory_space<hbm>>
    %dma_start3A_58 = tpu.memref_slice %arg4[%multiple_of3A_54] : memref<1164288xf32, #tpu.memory_space<hbm>> -> memref<5000xf32, #tpu.memory_space<hbm>>
    %dma_start3A_59 = arith.constant 0 : i32
    %dma_start3A_60 = tpu.memref_slice %arg8[%dma_start3A_59] : memref<5120xf32, #tpu.memory_space<vmem>> -> memref<5000xf32, #tpu.memory_space<vmem>>
    tpu.enqueue_dma source(%dma_start3A_60 : memref<5000xf32, #tpu.memory_space<vmem>>) target(%dma_start3A_58 : memref<5000xf32, #tpu.memory_space<hbm>>) target_semaphore(%arg10 : memref<!tpu.dma_semaphore, #tpu.memory_space<semaphore_mem>>)
    %mul3A_61 = arith.constant 4 : i32
    %mul3A_62 = arith.muli %select_n3A, %mul3A_61 : i32
    %add3A_63 = arith.constant 1 : i32
    %add3A_64 = arith.addi %mul3A_62, %add3A_63 : i32
    %mul3A_65 = arith.constant 18192 : i32
    %mul3A_66 = arith.muli %add3A_64, %mul3A_65 : i32
    %mul3A_67 = arith.constant 13192 : i32
    %mul3A_68 = arith.muli %select_n3A_30, %mul3A_67 : i32
    %add3A_69 = arith.addi %mul3A_66, %mul3A_68 : i32
    %multiple_of3A_70 = tpu.assume_multiple %add3A_69, 8 : i32
    %dma_start3A_71 = arith.constant 0 : i32
    %dma_start3A_72 = tpu.memref_slice %arg8[%dma_start3A_71] : memref<5120xf32, #tpu.memory_space<vmem>> -> memref<5000xf32, #tpu.memory_space<vmem>>
    %dma_start3A_73 = tpu.memref_slice %arg4[%multiple_of3A_70] : memref<1164288xf32, #tpu.memory_space<hbm>> -> memref<5000xf32, #tpu.memory_space<hbm>>
    %dma_start3A_74 = tpu.memref_slice %arg4[%multiple_of3A_70] : memref<1164288xf32, #tpu.memory_space<hbm>> -> memref<5000xf32, #tpu.memory_space<hbm>>
    %dma_start3A_75 = arith.constant 0 : i32
    %dma_start3A_76 = tpu.memref_slice %arg8[%dma_start3A_75] : memref<5120xf32, #tpu.memory_space<vmem>> -> memref<5000xf32, #tpu.memory_space<vmem>>
    tpu.enqueue_dma source(%dma_start3A_76 : memref<5000xf32, #tpu.memory_space<vmem>>) target(%dma_start3A_74 : memref<5000xf32, #tpu.memory_space<hbm>>) target_semaphore(%arg10 : memref<!tpu.dma_semaphore, #tpu.memory_space<semaphore_mem>>)
    %mul3A_77 = arith.constant 4 : i32
    %mul3A_78 = arith.muli %select_n3A, %mul3A_77 : i32
    %add3A_79 = arith.constant 2 : i32
    %add3A_80 = arith.addi %mul3A_78, %add3A_79 : i32
    %mul3A_81 = arith.constant 18192 : i32
    %mul3A_82 = arith.muli %add3A_80, %mul3A_81 : i32
    %mul3A_83 = arith.constant 13192 : i32
    %mul3A_84 = arith.muli %select_n3A_30, %mul3A_83 : i32
    %add3A_85 = arith.addi %mul3A_82, %mul3A_84 : i32
    %multiple_of3A_86 = tpu.assume_multiple %add3A_85, 8 : i32
    %dma_start3A_87 = arith.constant 0 : i32
    %dma_start3A_88 = tpu.memref_slice %arg8[%dma_start3A_87] : memref<5120xf32, #tpu.memory_space<vmem>> -> memref<5000xf32, #tpu.memory_space<vmem>>
    %dma_start3A_89 = tpu.memref_slice %arg4[%multiple_of3A_86] : memref<1164288xf32, #tpu.memory_space<hbm>> -> memref<5000xf32, #tpu.memory_space<hbm>>
    %dma_start3A_90 = tpu.memref_slice %arg4[%multiple_of3A_86] : memref<1164288xf32, #tpu.memory_space<hbm>> -> memref<5000xf32, #tpu.memory_space<hbm>>
    %dma_start3A_91 = arith.constant 0 : i32
    %dma_start3A_92 = tpu.memref_slice %arg8[%dma_start3A_91] : memref<5120xf32, #tpu.memory_space<vmem>> -> memref<5000xf32, #tpu.memory_space<vmem>>
    tpu.enqueue_dma source(%dma_start3A_92 : memref<5000xf32, #tpu.memory_space<vmem>>) target(%dma_start3A_90 : memref<5000xf32, #tpu.memory_space<hbm>>) target_semaphore(%arg10 : memref<!tpu.dma_semaphore, #tpu.memory_space<semaphore_mem>>)
    %mul3A_93 = arith.constant 4 : i32
    %mul3A_94 = arith.muli %select_n3A, %mul3A_93 : i32
    %add3A_95 = arith.constant 3 : i32
    %add3A_96 = arith.addi %mul3A_94, %add3A_95 : i32
    %mul3A_97 = arith.constant 18192 : i32
    %mul3A_98 = arith.muli %add3A_96, %mul3A_97 : i32
    %mul3A_99 = arith.constant 13192 : i32
    %mul3A_100 = arith.muli %select_n3A_30, %mul3A_99 : i32
    %add3A_101 = arith.addi %mul3A_98, %mul3A_100 : i32
    %multiple_of3A_102 = tpu.assume_multiple %add3A_101, 8 : i32
    %dma_start3A_103 = arith.constant 0 : i32
    %dma_start3A_104 = tpu.memref_slice %arg8[%dma_start3A_103] : memref<5120xf32, #tpu.memory_space<vmem>> -> memref<5000xf32, #tpu.memory_space<vmem>>
    %dma_start3A_105 = tpu.memref_slice %arg4[%multiple_of3A_102] : memref<1164288xf32, #tpu.memory_space<hbm>> -> memref<5000xf32, #tpu.memory_space<hbm>>
    %dma_start3A_106 = tpu.memref_slice %arg4[%multiple_of3A_102] : memref<1164288xf32, #tpu.memory_space<hbm>> -> memref<5000xf32, #tpu.memory_space<hbm>>
    %dma_start3A_107 = arith.constant 0 : i32
    %dma_start3A_108 = tpu.memref_slice %arg8[%dma_start3A_107] : memref<5120xf32, #tpu.memory_space<vmem>> -> memref<5000xf32, #tpu.memory_space<vmem>>
    tpu.enqueue_dma source(%dma_start3A_108 : memref<5000xf32, #tpu.memory_space<vmem>>) target(%dma_start3A_106 : memref<5000xf32, #tpu.memory_space<hbm>>) target_semaphore(%arg10 : memref<!tpu.dma_semaphore, #tpu.memory_space<semaphore_mem>>)
    %dma_wait3A = tpu.memref_slice %arg2[%multiple_of3A] : memref<131072xi32, #tpu.memory_space<hbm>> -> memref<4096xi32, #tpu.memory_space<hbm>>
    %dma_wait3A_109 = tpu.memref_slice %arg2[%multiple_of3A] : memref<131072xi32, #tpu.memory_space<hbm>> -> memref<4096xi32, #tpu.memory_space<hbm>>
    tpu.wait_dma2 semaphore(%arg9 : memref<!tpu.dma_semaphore, #tpu.memory_space<semaphore_mem>>) src(%dma_wait3A_109 : memref<4096xi32, #tpu.memory_space<hbm>>) dst(%arg5 : memref<4096xi32, #tpu.memory_space<vmem>>)
    %dma_wait3A_110 = tpu.memref_slice %arg3[%multiple_of3A] : memref<131072xf32, #tpu.memory_space<hbm>> -> memref<4096xf32, #tpu.memory_space<hbm>>
    %dma_wait3A_111 = tpu.memref_slice %arg3[%multiple_of3A] : memref<131072xf32, #tpu.memory_space<hbm>> -> memref<4096xf32, #tpu.memory_space<hbm>>
    tpu.wait_dma2 semaphore(%arg9 : memref<!tpu.dma_semaphore, #tpu.memory_space<semaphore_mem>>) src(%dma_wait3A_111 : memref<4096xf32, #tpu.memory_space<hbm>>) dst(%arg6 : memref<4096xf32, #tpu.memory_space<vmem>>)
    %scan3A_112 = arith.constant 0 : i32
    %scan3A_113 = arith.constant 0 : i32
    %scan3A_114 = arith.constant 32 : i32
    %scan3A_115 = arith.addi %scan3A_113, %scan3A_114 : i32
    %scan3A_116 = arith.constant 1 : i32
    scf.for %scan3A_238 = %scan3A_113 to %scan3A_115 step %scan3A_116  : i32 {
      %mul3A_239 = arith.constant 128 : i32
      %mul3A_240 = arith.muli %scan3A_238, %mul3A_239 : i32
      %add3A_241 = arith.constant 0 : i32
      %add3A_242 = arith.addi %mul3A_240, %add3A_241 : i32
      %get3A = arith.index_cast %add3A_242 : i32 to index
      %get3A_243 = tpu.vector_load %arg5[%get3A] {strides = array<i32>} : memref<4096xi32, #tpu.memory_space<vmem>>, vector<16xi32>,
      %get3A_244 = vector.shape_cast %get3A_243 : vector<16xi32> to vector<16xi32>
      %get3A_245 = arith.index_cast %add3A_242 : i32 to index
      %get3A_246 = tpu.vector_load %arg6[%get3A_245] {strides = array<i32>} : memref<4096xf32, #tpu.memory_space<vmem>>, vector<16xf32>,
      %get3A_247 = vector.shape_cast %get3A_246 : vector<16xf32> to vector<16xf32>
      %eq3A_248 = arith.constant 0 : i32
      %eq3A_249 = vector.broadcast %eq3A_248 : i32 to vector<16xi32>
      %eq3A_250 = arith.cmpi eq, %get3A_244, %eq3A_249 : vector<16xi32>
      %jit3A_251 = arith.constant 0.000000e+00 : f32
      %broadcast_in_dim3A_252 = vector.broadcast %jit3A_251 : f32 to vector<16xf32>
      %select_n3A_253 = arith.select %eq3A_250, %get3A_247, %broadcast_in_dim3A_252 : vector<16xi1>, vector<16xf32>
      %add3A_254 = arith.constant 0 : i32
      %add3A_255 = arith.addi %add3A_254, %add3A_242 : i32
      %swap3A = arith.index_cast %add3A_255 : i32 to index
      %swap3A_256 = tpu.vector_load %arg7[%swap3A] {strides = array<i32>} : memref<16384xf32, #tpu.memory_space<vmem>>, vector<16xf32>,
      %swap3A_257 = vector.shape_cast %swap3A_256 : vector<16xf32> to vector<16xf32>
      %swap3A_258 = vector.shape_cast %select_n3A_253 : vector<16xf32> to vector<16xf32>
      tpu.vector_store %arg7[%swap3A], %swap3A_258 {strides = array<i32>} : memref<16384xf32, #tpu.memory_space<vmem>>, vector<16xf32>,
      %eq3A_259 = arith.constant 1 : i32
      %eq3A_260 = vector.broadcast %eq3A_259 : i32 to vector<16xi32>
      %eq3A_261 = arith.cmpi eq, %get3A_244, %eq3A_260 : vector<16xi32>
      %jit3A_262 = arith.constant 0.000000e+00 : f32
      %broadcast_in_dim3A_263 = vector.broadcast %jit3A_262 : f32 to vector<16xf32>
      %select_n3A_264 = arith.select %eq3A_261, %get3A_247, %broadcast_in_dim3A_263 : vector<16xi1>, vector<16xf32>
      %add3A_265 = arith.constant 4096 : i32
      %add3A_266 = arith.addi %add3A_265, %add3A_242 : i32
      %swap3A_267 = arith.index_cast %add3A_266 : i32 to index
      %swap3A_268 = tpu.vector_load %arg7[%swap3A_267] {strides = array<i32>} : memref<16384xf32, #tpu.memory_space<vmem>>, vector<16xf32>,
      %swap3A_269 = vector.shape_cast %swap3A_268 : vector<16xf32> to vector<16xf32>
      %swap3A_270 = vector.shape_cast %select_n3A_264 : vector<16xf32> to vector<16xf32>
      tpu.vector_store %arg7[%swap3A_267], %swap3A_270 {strides = array<i32>} : memref<16384xf32, #tpu.memory_space<vmem>>, vector<16xf32>,
      %eq3A_271 = arith.constant 2 : i32
      %eq3A_272 = vector.broadcast %eq3A_271 : i32 to vector<16xi32>
      %eq3A_273 = arith.cmpi eq, %get3A_244, %eq3A_272 : vector<16xi32>
      %jit3A_274 = arith.constant 0.000000e+00 : f32
      %broadcast_in_dim3A_275 = vector.broadcast %jit3A_274 : f32 to vector<16xf32>
      %select_n3A_276 = arith.select %eq3A_273, %get3A_247, %broadcast_in_dim3A_275 : vector<16xi1>, vector<16xf32>
      %add3A_277 = arith.constant 8192 : i32
      %add3A_278 = arith.addi %add3A_277, %add3A_242 : i32
      %swap3A_279 = arith.index_cast %add3A_278 : i32 to index
      %swap3A_280 = tpu.vector_load %arg7[%swap3A_279] {strides = array<i32>} : memref<16384xf32, #tpu.memory_space<vmem>>, vector<16xf32>,
      %swap3A_281 = vector.shape_cast %swap3A_280 : vector<16xf32> to vector<16xf32>
      %swap3A_282 = vector.shape_cast %select_n3A_276 : vector<16xf32> to vector<16xf32>
      tpu.vector_store %arg7[%swap3A_279], %swap3A_282 {strides = array<i32>} : memref<16384xf32, #tpu.memory_space<vmem>>, vector<16xf32>,
      %eq3A_283 = arith.constant 3 : i32
      %eq3A_284 = vector.broadcast %eq3A_283 : i32 to vector<16xi32>
      %eq3A_285 = arith.cmpi eq, %get3A_244, %eq3A_284 : vector<16xi32>
      %jit3A_286 = arith.constant 0.000000e+00 : f32
      %broadcast_in_dim3A_287 = vector.broadcast %jit3A_286 : f32 to vector<16xf32>
      %select_n3A_288 = arith.select %eq3A_285, %get3A_247, %broadcast_in_dim3A_287 : vector<16xi1>, vector<16xf32>
      %add3A_289 = arith.constant 12288 : i32
      %add3A_290 = arith.addi %add3A_289, %add3A_242 : i32
      %swap3A_291 = arith.index_cast %add3A_290 : i32 to index
      %swap3A_292 = tpu.vector_load %arg7[%swap3A_291] {strides = array<i32>} : memref<16384xf32, #tpu.memory_space<vmem>>, vector<16xf32>,
      %swap3A_293 = vector.shape_cast %swap3A_292 : vector<16xf32> to vector<16xf32>
      %swap3A_294 = vector.shape_cast %select_n3A_288 : vector<16xf32> to vector<16xf32>
      tpu.vector_store %arg7[%swap3A_291], %swap3A_294 {strides = array<i32>} : memref<16384xf32, #tpu.memory_space<vmem>>, vector<16xf32>,
      %add3A_295 = arith.constant 16 : i32
      %add3A_296 = arith.addi %mul3A_240, %add3A_295 : i32
      %get3A_297 = arith.index_cast %add3A_296 : i32 to index
      %get3A_298 = tpu.vector_load %arg5[%get3A_297] {strides = array<i32>} : memref<4096xi32, #tpu.memory_space<vmem>>, vector<16xi32>,
      %get3A_299 = vector.shape_cast %get3A_298 : vector<16xi32> to vector<16xi32>
      %get3A_300 = arith.index_cast %add3A_296 : i32 to index
      %get3A_301 = tpu.vector_load %arg6[%get3A_300] {strides = array<i32>} : memref<4096xf32, #tpu.memory_space<vmem>>, vector<16xf32>,
      %get3A_302 = vector.shape_cast %get3A_301 : vector<16xf32> to vector<16xf32>
      %eq3A_303 = arith.constant 0 : i32
      %eq3A_304 = vector.broadcast %eq3A_303 : i32 to vector<16xi32>
      %eq3A_305 = arith.cmpi eq, %get3A_299, %eq3A_304 : vector<16xi32>
      %jit3A_306 = arith.constant 0.000000e+00 : f32
      %broadcast_in_dim3A_307 = vector.broadcast %jit3A_306 : f32 to vector<16xf32>
      %select_n3A_308 = arith.select %eq3A_305, %get3A_302, %broadcast_in_dim3A_307 : vector<16xi1>, vector<16xf32>
      %add3A_309 = arith.constant 0 : i32
      %add3A_310 = arith.addi %add3A_309, %add3A_296 : i32
      %swap3A_311 = arith.index_cast %add3A_310 : i32 to index
      %swap3A_312 = tpu.vector_load %arg7[%swap3A_311] {strides = array<i32>} : memref<16384xf32, #tpu.memory_space<vmem>>, vector<16xf32>,
      %swap3A_313 = vector.shape_cast %swap3A_312 : vector<16xf32> to vector<16xf32>
      %swap3A_314 = vector.shape_cast %select_n3A_308 : vector<16xf32> to vector<16xf32>
      tpu.vector_store %arg7[%swap3A_311], %swap3A_314 {strides = array<i32>} : memref<16384xf32, #tpu.memory_space<vmem>>, vector<16xf32>,
      %eq3A_315 = arith.constant 1 : i32
      %eq3A_316 = vector.broadcast %eq3A_315 : i32 to vector<16xi32>
      %eq3A_317 = arith.cmpi eq, %get3A_299, %eq3A_316 : vector<16xi32>
      %jit3A_318 = arith.constant 0.000000e+00 : f32
      %broadcast_in_dim3A_319 = vector.broadcast %jit3A_318 : f32 to vector<16xf32>
      %select_n3A_320 = arith.select %eq3A_317, %get3A_302, %broadcast_in_dim3A_319 : vector<16xi1>, vector<16xf32>
      %add3A_321 = arith.constant 4096 : i32
      %add3A_322 = arith.addi %add3A_321, %add3A_296 : i32
      %swap3A_323 = arith.index_cast %add3A_322 : i32 to index
      %swap3A_324 = tpu.vector_load %arg7[%swap3A_323] {strides = array<i32>} : memref<16384xf32, #tpu.memory_space<vmem>>, vector<16xf32>,
      %swap3A_325 = vector.shape_cast %swap3A_324 : vector<16xf32> to vector<16xf32>
      %swap3A_326 = vector.shape_cast %select_n3A_320 : vector<16xf32> to vector<16xf32>
      tpu.vector_store %arg7[%swap3A_323], %swap3A_326 {strides = array<i32>} : memref<16384xf32, #tpu.memory_space<vmem>>, vector<16xf32>,
      %eq3A_327 = arith.constant 2 : i32
      %eq3A_328 = vector.broadcast %eq3A_327 : i32 to vector<16xi32>
      %eq3A_329 = arith.cmpi eq, %get3A_299, %eq3A_328 : vector<16xi32>
      %jit3A_330 = arith.constant 0.000000e+00 : f32
      %broadcast_in_dim3A_331 = vector.broadcast %jit3A_330 : f32 to vector<16xf32>
      %select_n3A_332 = arith.select %eq3A_329, %get3A_302, %broadcast_in_dim3A_331 : vector<16xi1>, vector<16xf32>
      %add3A_333 = arith.constant 8192 : i32
      %add3A_334 = arith.addi %add3A_333, %add3A_296 : i32
      %swap3A_335 = arith.index_cast %add3A_334 : i32 to index
      %swap3A_336 = tpu.vector_load %arg7[%swap3A_335] {strides = array<i32>} : memref<16384xf32, #tpu.memory_space<vmem>>, vector<16xf32>,
      %swap3A_337 = vector.shape_cast %swap3A_336 : vector<16xf32> to vector<16xf32>
      %swap3A_338 = vector.shape_cast %select_n3A_332 : vector<16xf32> to vector<16xf32>
      tpu.vector_store %arg7[%swap3A_335], %swap3A_338 {strides = array<i32>} : memref<16384xf32, #tpu.memory_space<vmem>>, vector<16xf32>,
      %eq3A_339 = arith.constant 3 : i32
      %eq3A_340 = vector.broadcast %eq3A_339 : i32 to vector<16xi32>
      %eq3A_341 = arith.cmpi eq, %get3A_299, %eq3A_340 : vector<16xi32>
      %jit3A_342 = arith.constant 0.000000e+00 : f32
      %broadcast_in_dim3A_343 = vector.broadcast %jit3A_342 : f32 to vector<16xf32>
      %select_n3A_344 = arith.select %eq3A_341, %get3A_302, %broadcast_in_dim3A_343 : vector<16xi1>, vector<16xf32>
      %add3A_345 = arith.constant 12288 : i32
      %add3A_346 = arith.addi %add3A_345, %add3A_296 : i32
      %swap3A_347 = arith.index_cast %add3A_346 : i32 to index
      %swap3A_348 = tpu.vector_load %arg7[%swap3A_347] {strides = array<i32>} : memref<16384xf32, #tpu.memory_space<vmem>>, vector<16xf32>,
      %swap3A_349 = vector.shape_cast %swap3A_348 : vector<16xf32> to vector<16xf32>
      %swap3A_350 = vector.shape_cast %select_n3A_344 : vector<16xf32> to vector<16xf32>
      tpu.vector_store %arg7[%swap3A_347], %swap3A_350 {strides = array<i32>} : memref<16384xf32, #tpu.memory_space<vmem>>, vector<16xf32>,
      %add3A_351 = arith.constant 32 : i32
      %add3A_352 = arith.addi %mul3A_240, %add3A_351 : i32
      %get3A_353 = arith.index_cast %add3A_352 : i32 to index
      %get3A_354 = tpu.vector_load %arg5[%get3A_353] {strides = array<i32>} : memref<4096xi32, #tpu.memory_space<vmem>>, vector<16xi32>,
      %get3A_355 = vector.shape_cast %get3A_354 : vector<16xi32> to vector<16xi32>
      %get3A_356 = arith.index_cast %add3A_352 : i32 to index
      %get3A_357 = tpu.vector_load %arg6[%get3A_356] {strides = array<i32>} : memref<4096xf32, #tpu.memory_space<vmem>>, vector<16xf32>,
      %get3A_358 = vector.shape_cast %get3A_357 : vector<16xf32> to vector<16xf32>
      %eq3A_359 = arith.constant 0 : i32
      %eq3A_360 = vector.broadcast %eq3A_359 : i32 to vector<16xi32>
      %eq3A_361 = arith.cmpi eq, %get3A_355, %eq3A_360 : vector<16xi32>
      %jit3A_362 = arith.constant 0.000000e+00 : f32
      %broadcast_in_dim3A_363 = vector.broadcast %jit3A_362 : f32 to vector<16xf32>
      %select_n3A_364 = arith.select %eq3A_361, %get3A_358, %broadcast_in_dim3A_363 : vector<16xi1>, vector<16xf32>
      %add3A_365 = arith.constant 0 : i32
      %add3A_366 = arith.addi %add3A_365, %add3A_352 : i32
      %swap3A_367 = arith.index_cast %add3A_366 : i32 to index
      %swap3A_368 = tpu.vector_load %arg7[%swap3A_367] {strides = array<i32>} : memref<16384xf32, #tpu.memory_space<vmem>>, vector<16xf32>,
      %swap3A_369 = vector.shape_cast %swap3A_368 : vector<16xf32> to vector<16xf32>
      %swap3A_370 = vector.shape_cast %select_n3A_364 : vector<16xf32> to vector<16xf32>
      tpu.vector_store %arg7[%swap3A_367], %swap3A_370 {strides = array<i32>} : memref<16384xf32, #tpu.memory_space<vmem>>, vector<16xf32>,
      %eq3A_371 = arith.constant 1 : i32
      %eq3A_372 = vector.broadcast %eq3A_371 : i32 to vector<16xi32>
      %eq3A_373 = arith.cmpi eq, %get3A_355, %eq3A_372 : vector<16xi32>
      %jit3A_374 = arith.constant 0.000000e+00 : f32
      %broadcast_in_dim3A_375 = vector.broadcast %jit3A_374 : f32 to vector<16xf32>
      %select_n3A_376 = arith.select %eq3A_373, %get3A_358, %broadcast_in_dim3A_375 : vector<16xi1>, vector<16xf32>
      %add3A_377 = arith.constant 4096 : i32
      %add3A_378 = arith.addi %add3A_377, %add3A_352 : i32
      %swap3A_379 = arith.index_cast %add3A_378 : i32 to index
      %swap3A_380 = tpu.vector_load %arg7[%swap3A_379] {strides = array<i32>} : memref<16384xf32, #tpu.memory_space<vmem>>, vector<16xf32>,
      %swap3A_381 = vector.shape_cast %swap3A_380 : vector<16xf32> to vector<16xf32>
      %swap3A_382 = vector.shape_cast %select_n3A_376 : vector<16xf32> to vector<16xf32>
      tpu.vector_store %arg7[%swap3A_379], %swap3A_382 {strides = array<i32>} : memref<16384xf32, #tpu.memory_space<vmem>>, vector<16xf32>,
      %eq3A_383 = arith.constant 2 : i32
      %eq3A_384 = vector.broadcast %eq3A_383 : i32 to vector<16xi32>
      %eq3A_385 = arith.cmpi eq, %get3A_355, %eq3A_384 : vector<16xi32>
      %jit3A_386 = arith.constant 0.000000e+00 : f32
      %broadcast_in_dim3A_387 = vector.broadcast %jit3A_386 : f32 to vector<16xf32>
      %select_n3A_388 = arith.select %eq3A_385, %get3A_358, %broadcast_in_dim3A_387 : vector<16xi1>, vector<16xf32>
      %add3A_389 = arith.constant 8192 : i32
      %add3A_390 = arith.addi %add3A_389, %add3A_352 : i32
      %swap3A_391 = arith.index_cast %add3A_390 : i32 to index
      %swap3A_392 = tpu.vector_load %arg7[%swap3A_391] {strides = array<i32>} : memref<16384xf32, #tpu.memory_space<vmem>>, vector<16xf32>,
      %swap3A_393 = vector.shape_cast %swap3A_392 : vector<16xf32> to vector<16xf32>
      %swap3A_394 = vector.shape_cast %select_n3A_388 : vector<16xf32> to vector<16xf32>
      tpu.vector_store %arg7[%swap3A_391], %swap3A_394 {strides = array<i32>} : memref<16384xf32, #tpu.memory_space<vmem>>, vector<16xf32>,
      %eq3A_395 = arith.constant 3 : i32
      %eq3A_396 = vector.broadcast %eq3A_395 : i32 to vector<16xi32>
      %eq3A_397 = arith.cmpi eq, %get3A_355, %eq3A_396 : vector<16xi32>
      %jit3A_398 = arith.constant 0.000000e+00 : f32
      %broadcast_in_dim3A_399 = vector.broadcast %jit3A_398 : f32 to vector<16xf32>
      %select_n3A_400 = arith.select %eq3A_397, %get3A_358, %broadcast_in_dim3A_399 : vector<16xi1>, vector<16xf32>
      %add3A_401 = arith.constant 12288 : i32
      %add3A_402 = arith.addi %add3A_401, %add3A_352 : i32
      %swap3A_403 = arith.index_cast %add3A_402 : i32 to index
      %swap3A_404 = tpu.vector_load %arg7[%swap3A_403] {strides = array<i32>} : memref<16384xf32, #tpu.memory_space<vmem>>, vector<16xf32>,
      %swap3A_405 = vector.shape_cast %swap3A_404 : vector<16xf32> to vector<16xf32>
      %swap3A_406 = vector.shape_cast %select_n3A_400 : vector<16xf32> to vector<16xf32>
      tpu.vector_store %arg7[%swap3A_403], %swap3A_406 {strides = array<i32>} : memref<16384xf32, #tpu.memory_space<vmem>>, vector<16xf32>,
      %add3A_407 = arith.constant 48 : i32
      %add3A_408 = arith.addi %mul3A_240, %add3A_407 : i32
      %get3A_409 = arith.index_cast %add3A_408 : i32 to index
      %get3A_410 = tpu.vector_load %arg5[%get3A_409] {strides = array<i32>} : memref<4096xi32, #tpu.memory_space<vmem>>, vector<16xi32>,
      %get3A_411 = vector.shape_cast %get3A_410 : vector<16xi32> to vector<16xi32>
      %get3A_412 = arith.index_cast %add3A_408 : i32 to index
      %get3A_413 = tpu.vector_load %arg6[%get3A_412] {strides = array<i32>} : memref<4096xf32, #tpu.memory_space<vmem>>, vector<16xf32>,
      %get3A_414 = vector.shape_cast %get3A_413 : vector<16xf32> to vector<16xf32>
      %eq3A_415 = arith.constant 0 : i32
      %eq3A_416 = vector.broadcast %eq3A_415 : i32 to vector<16xi32>
      %eq3A_417 = arith.cmpi eq, %get3A_411, %eq3A_416 : vector<16xi32>
      %jit3A_418 = arith.constant 0.000000e+00 : f32
      %broadcast_in_dim3A_419 = vector.broadcast %jit3A_418 : f32 to vector<16xf32>
      %select_n3A_420 = arith.select %eq3A_417, %get3A_414, %broadcast_in_dim3A_419 : vector<16xi1>, vector<16xf32>
      %add3A_421 = arith.constant 0 : i32
      %add3A_422 = arith.addi %add3A_421, %add3A_408 : i32
      %swap3A_423 = arith.index_cast %add3A_422 : i32 to index
      %swap3A_424 = tpu.vector_load %arg7[%swap3A_423] {strides = array<i32>} : memref<16384xf32, #tpu.memory_space<vmem>>, vector<16xf32>,
      %swap3A_425 = vector.shape_cast %swap3A_424 : vector<16xf32> to vector<16xf32>
      %swap3A_426 = vector.shape_cast %select_n3A_420 : vector<16xf32> to vector<16xf32>
      tpu.vector_store %arg7[%swap3A_423], %swap3A_426 {strides = array<i32>} : memref<16384xf32, #tpu.memory_space<vmem>>, vector<16xf32>,
      %eq3A_427 = arith.constant 1 : i32
      %eq3A_428 = vector.broadcast %eq3A_427 : i32 to vector<16xi32>
      %eq3A_429 = arith.cmpi eq, %get3A_411, %eq3A_428 : vector<16xi32>
      %jit3A_430 = arith.constant 0.000000e+00 : f32
      %broadcast_in_dim3A_431 = vector.broadcast %jit3A_430 : f32 to vector<16xf32>
      %select_n3A_432 = arith.select %eq3A_429, %get3A_414, %broadcast_in_dim3A_431 : vector<16xi1>, vector<16xf32>
      %add3A_433 = arith.constant 4096 : i32
      %add3A_434 = arith.addi %add3A_433, %add3A_408 : i32
      %swap3A_435 = arith.index_cast %add3A_434 : i32 to index
      %swap3A_436 = tpu.vector_load %arg7[%swap3A_435] {strides = array<i32>} : memref<16384xf32, #tpu.memory_space<vmem>>, vector<16xf32>,
      %swap3A_437 = vector.shape_cast %swap3A_436 : vector<16xf32> to vector<16xf32>
      %swap3A_438 = vector.shape_cast %select_n3A_432 : vector<16xf32> to vector<16xf32>
      tpu.vector_store %arg7[%swap3A_435], %swap3A_438 {strides = array<i32>} : memref<16384xf32, #tpu.memory_space<vmem>>, vector<16xf32>,
      %eq3A_439 = arith.constant 2 : i32
      %eq3A_440 = vector.broadcast %eq3A_439 : i32 to vector<16xi32>
      %eq3A_441 = arith.cmpi eq, %get3A_411, %eq3A_440 : vector<16xi32>
      %jit3A_442 = arith.constant 0.000000e+00 : f32
      %broadcast_in_dim3A_443 = vector.broadcast %jit3A_442 : f32 to vector<16xf32>
      %select_n3A_444 = arith.select %eq3A_441, %get3A_414, %broadcast_in_dim3A_443 : vector<16xi1>, vector<16xf32>
      %add3A_445 = arith.constant 8192 : i32
      %add3A_446 = arith.addi %add3A_445, %add3A_408 : i32
      %swap3A_447 = arith.index_cast %add3A_446 : i32 to index
      %swap3A_448 = tpu.vector_load %arg7[%swap3A_447] {strides = array<i32>} : memref<16384xf32, #tpu.memory_space<vmem>>, vector<16xf32>,
      %swap3A_449 = vector.shape_cast %swap3A_448 : vector<16xf32> to vector<16xf32>
      %swap3A_450 = vector.shape_cast %select_n3A_444 : vector<16xf32> to vector<16xf32>
      tpu.vector_store %arg7[%swap3A_447], %swap3A_450 {strides = array<i32>} : memref<16384xf32, #tpu.memory_space<vmem>>, vector<16xf32>,
      %eq3A_451 = arith.constant 3 : i32
      %eq3A_452 = vector.broadcast %eq3A_451 : i32 to vector<16xi32>
      %eq3A_453 = arith.cmpi eq, %get3A_411, %eq3A_452 : vector<16xi32>
      %jit3A_454 = arith.constant 0.000000e+00 : f32
      %broadcast_in_dim3A_455 = vector.broadcast %jit3A_454 : f32 to vector<16xf32>
      %select_n3A_456 = arith.select %eq3A_453, %get3A_414, %broadcast_in_dim3A_455 : vector<16xi1>, vector<16xf32>
      %add3A_457 = arith.constant 12288 : i32
      %add3A_458 = arith.addi %add3A_457, %add3A_408 : i32
      %swap3A_459 = arith.index_cast %add3A_458 : i32 to index
      %swap3A_460 = tpu.vector_load %arg7[%swap3A_459] {strides = array<i32>} : memref<16384xf32, #tpu.memory_space<vmem>>, vector<16xf32>,
      %swap3A_461 = vector.shape_cast %swap3A_460 : vector<16xf32> to vector<16xf32>
      %swap3A_462 = vector.shape_cast %select_n3A_456 : vector<16xf32> to vector<16xf32>
      tpu.vector_store %arg7[%swap3A_459], %swap3A_462 {strides = array<i32>} : memref<16384xf32, #tpu.memory_space<vmem>>, vector<16xf32>,
      %add3A_463 = arith.constant 64 : i32
      %add3A_464 = arith.addi %mul3A_240, %add3A_463 : i32
      %get3A_465 = arith.index_cast %add3A_464 : i32 to index
      %get3A_466 = tpu.vector_load %arg5[%get3A_465] {strides = array<i32>} : memref<4096xi32, #tpu.memory_space<vmem>>, vector<16xi32>,
      %get3A_467 = vector.shape_cast %get3A_466 : vector<16xi32> to vector<16xi32>
      %get3A_468 = arith.index_cast %add3A_464 : i32 to index
      %get3A_469 = tpu.vector_load %arg6[%get3A_468] {strides = array<i32>} : memref<4096xf32, #tpu.memory_space<vmem>>, vector<16xf32>,
      %get3A_470 = vector.shape_cast %get3A_469 : vector<16xf32> to vector<16xf32>
      %eq3A_471 = arith.constant 0 : i32
      %eq3A_472 = vector.broadcast %eq3A_471 : i32 to vector<16xi32>
      %eq3A_473 = arith.cmpi eq, %get3A_467, %eq3A_472 : vector<16xi32>
      %jit3A_474 = arith.constant 0.000000e+00 : f32
      %broadcast_in_dim3A_475 = vector.broadcast %jit3A_474 : f32 to vector<16xf32>
      %select_n3A_476 = arith.select %eq3A_473, %get3A_470, %broadcast_in_dim3A_475 : vector<16xi1>, vector<16xf32>
      %add3A_477 = arith.constant 0 : i32
      %add3A_478 = arith.addi %add3A_477, %add3A_464 : i32
      %swap3A_479 = arith.index_cast %add3A_478 : i32 to index
      %swap3A_480 = tpu.vector_load %arg7[%swap3A_479] {strides = array<i32>} : memref<16384xf32, #tpu.memory_space<vmem>>, vector<16xf32>,
      %swap3A_481 = vector.shape_cast %swap3A_480 : vector<16xf32> to vector<16xf32>
      %swap3A_482 = vector.shape_cast %select_n3A_476 : vector<16xf32> to vector<16xf32>
      tpu.vector_store %arg7[%swap3A_479], %swap3A_482 {strides = array<i32>} : memref<16384xf32, #tpu.memory_space<vmem>>, vector<16xf32>,
      %eq3A_483 = arith.constant 1 : i32
      %eq3A_484 = vector.broadcast %eq3A_483 : i32 to vector<16xi32>
      %eq3A_485 = arith.cmpi eq, %get3A_467, %eq3A_484 : vector<16xi32>
      %jit3A_486 = arith.constant 0.000000e+00 : f32
      %broadcast_in_dim3A_487 = vector.broadcast %jit3A_486 : f32 to vector<16xf32>
      %select_n3A_488 = arith.select %eq3A_485, %get3A_470, %broadcast_in_dim3A_487 : vector<16xi1>, vector<16xf32>
      %add3A_489 = arith.constant 4096 : i32
      %add3A_490 = arith.addi %add3A_489, %add3A_464 : i32
      %swap3A_491 = arith.index_cast %add3A_490 : i32 to index
      %swap3A_492 = tpu.vector_load %arg7[%swap3A_491] {strides = array<i32>} : memref<16384xf32, #tpu.memory_space<vmem>>, vector<16xf32>,
      %swap3A_493 = vector.shape_cast %swap3A_492 : vector<16xf32> to vector<16xf32>
      %swap3A_494 = vector.shape_cast %select_n3A_488 : vector<16xf32> to vector<16xf32>
      tpu.vector_store %arg7[%swap3A_491], %swap3A_494 {strides = array<i32>} : memref<16384xf32, #tpu.memory_space<vmem>>, vector<16xf32>,
      %eq3A_495 = arith.constant 2 : i32
      %eq3A_496 = vector.broadcast %eq3A_495 : i32 to vector<16xi32>
      %eq3A_497 = arith.cmpi eq, %get3A_467, %eq3A_496 : vector<16xi32>
      %jit3A_498 = arith.constant 0.000000e+00 : f32
      %broadcast_in_dim3A_499 = vector.broadcast %jit3A_498 : f32 to vector<16xf32>
      %select_n3A_500 = arith.select %eq3A_497, %get3A_470, %broadcast_in_dim3A_499 : vector<16xi1>, vector<16xf32>
      %add3A_501 = arith.constant 8192 : i32
      %add3A_502 = arith.addi %add3A_501, %add3A_464 : i32
      %swap3A_503 = arith.index_cast %add3A_502 : i32 to index
      %swap3A_504 = tpu.vector_load %arg7[%swap3A_503] {strides = array<i32>} : memref<16384xf32, #tpu.memory_space<vmem>>, vector<16xf32>,
      %swap3A_505 = vector.shape_cast %swap3A_504 : vector<16xf32> to vector<16xf32>
      %swap3A_506 = vector.shape_cast %select_n3A_500 : vector<16xf32> to vector<16xf32>
      tpu.vector_store %arg7[%swap3A_503], %swap3A_506 {strides = array<i32>} : memref<16384xf32, #tpu.memory_space<vmem>>, vector<16xf32>,
      %eq3A_507 = arith.constant 3 : i32
      %eq3A_508 = vector.broadcast %eq3A_507 : i32 to vector<16xi32>
      %eq3A_509 = arith.cmpi eq, %get3A_467, %eq3A_508 : vector<16xi32>
      %jit3A_510 = arith.constant 0.000000e+00 : f32
      %broadcast_in_dim3A_511 = vector.broadcast %jit3A_510 : f32 to vector<16xf32>
      %select_n3A_512 = arith.select %eq3A_509, %get3A_470, %broadcast_in_dim3A_511 : vector<16xi1>, vector<16xf32>
      %add3A_513 = arith.constant 12288 : i32
      %add3A_514 = arith.addi %add3A_513, %add3A_464 : i32
      %swap3A_515 = arith.index_cast %add3A_514 : i32 to index
      %swap3A_516 = tpu.vector_load %arg7[%swap3A_515] {strides = array<i32>} : memref<16384xf32, #tpu.memory_space<vmem>>, vector<16xf32>,
      %swap3A_517 = vector.shape_cast %swap3A_516 : vector<16xf32> to vector<16xf32>
      %swap3A_518 = vector.shape_cast %select_n3A_512 : vector<16xf32> to vector<16xf32>
      tpu.vector_store %arg7[%swap3A_515], %swap3A_518 {strides = array<i32>} : memref<16384xf32, #tpu.memory_space<vmem>>, vector<16xf32>,
      %add3A_519 = arith.constant 80 : i32
      %add3A_520 = arith.addi %mul3A_240, %add3A_519 : i32
      %get3A_521 = arith.index_cast %add3A_520 : i32 to index
      %get3A_522 = tpu.vector_load %arg5[%get3A_521] {strides = array<i32>} : memref<4096xi32, #tpu.memory_space<vmem>>, vector<16xi32>,
      %get3A_523 = vector.shape_cast %get3A_522 : vector<16xi32> to vector<16xi32>
      %get3A_524 = arith.index_cast %add3A_520 : i32 to index
      %get3A_525 = tpu.vector_load %arg6[%get3A_524] {strides = array<i32>} : memref<4096xf32, #tpu.memory_space<vmem>>, vector<16xf32>,
      %get3A_526 = vector.shape_cast %get3A_525 : vector<16xf32> to vector<16xf32>
      %eq3A_527 = arith.constant 0 : i32
      %eq3A_528 = vector.broadcast %eq3A_527 : i32 to vector<16xi32>
      %eq3A_529 = arith.cmpi eq, %get3A_523, %eq3A_528 : vector<16xi32>
      %jit3A_530 = arith.constant 0.000000e+00 : f32
      %broadcast_in_dim3A_531 = vector.broadcast %jit3A_530 : f32 to vector<16xf32>
      %select_n3A_532 = arith.select %eq3A_529, %get3A_526, %broadcast_in_dim3A_531 : vector<16xi1>, vector<16xf32>
      %add3A_533 = arith.constant 0 : i32
      %add3A_534 = arith.addi %add3A_533, %add3A_520 : i32
      %swap3A_535 = arith.index_cast %add3A_534 : i32 to index
      %swap3A_536 = tpu.vector_load %arg7[%swap3A_535] {strides = array<i32>} : memref<16384xf32, #tpu.memory_space<vmem>>, vector<16xf32>,
      %swap3A_537 = vector.shape_cast %swap3A_536 : vector<16xf32> to vector<16xf32>
      %swap3A_538 = vector.shape_cast %select_n3A_532 : vector<16xf32> to vector<16xf32>
      tpu.vector_store %arg7[%swap3A_535], %swap3A_538 {strides = array<i32>} : memref<16384xf32, #tpu.memory_space<vmem>>, vector<16xf32>,
      %eq3A_539 = arith.constant 1 : i32
      %eq3A_540 = vector.broadcast %eq3A_539 : i32 to vector<16xi32>
      %eq3A_541 = arith.cmpi eq, %get3A_523, %eq3A_540 : vector<16xi32>
      %jit3A_542 = arith.constant 0.000000e+00 : f32
      %broadcast_in_dim3A_543 = vector.broadcast %jit3A_542 : f32 to vector<16xf32>
      %select_n3A_544 = arith.select %eq3A_541, %get3A_526, %broadcast_in_dim3A_543 : vector<16xi1>, vector<16xf32>
      %add3A_545 = arith.constant 4096 : i32
      %add3A_546 = arith.addi %add3A_545, %add3A_520 : i32
      %swap3A_547 = arith.index_cast %add3A_546 : i32 to index
      %swap3A_548 = tpu.vector_load %arg7[%swap3A_547] {strides = array<i32>} : memref<16384xf32, #tpu.memory_space<vmem>>, vector<16xf32>,
      %swap3A_549 = vector.shape_cast %swap3A_548 : vector<16xf32> to vector<16xf32>
      %swap3A_550 = vector.shape_cast %select_n3A_544 : vector<16xf32> to vector<16xf32>
      tpu.vector_store %arg7[%swap3A_547], %swap3A_550 {strides = array<i32>} : memref<16384xf32, #tpu.memory_space<vmem>>, vector<16xf32>,
      %eq3A_551 = arith.constant 2 : i32
      %eq3A_552 = vector.broadcast %eq3A_551 : i32 to vector<16xi32>
      %eq3A_553 = arith.cmpi eq, %get3A_523, %eq3A_552 : vector<16xi32>
      %jit3A_554 = arith.constant 0.000000e+00 : f32
      %broadcast_in_dim3A_555 = vector.broadcast %jit3A_554 : f32 to vector<16xf32>
      %select_n3A_556 = arith.select %eq3A_553, %get3A_526, %broadcast_in_dim3A_555 : vector<16xi1>, vector<16xf32>
      %add3A_557 = arith.constant 8192 : i32
      %add3A_558 = arith.addi %add3A_557, %add3A_520 : i32
      %swap3A_559 = arith.index_cast %add3A_558 : i32 to index
      %swap3A_560 = tpu.vector_load %arg7[%swap3A_559] {strides = array<i32>} : memref<16384xf32, #tpu.memory_space<vmem>>, vector<16xf32>,
      %swap3A_561 = vector.shape_cast %swap3A_560 : vector<16xf32> to vector<16xf32>
      %swap3A_562 = vector.shape_cast %select_n3A_556 : vector<16xf32> to vector<16xf32>
      tpu.vector_store %arg7[%swap3A_559], %swap3A_562 {strides = array<i32>} : memref<16384xf32, #tpu.memory_space<vmem>>, vector<16xf32>,
      %eq3A_563 = arith.constant 3 : i32
      %eq3A_564 = vector.broadcast %eq3A_563 : i32 to vector<16xi32>
      %eq3A_565 = arith.cmpi eq, %get3A_523, %eq3A_564 : vector<16xi32>
      %jit3A_566 = arith.constant 0.000000e+00 : f32
      %broadcast_in_dim3A_567 = vector.broadcast %jit3A_566 : f32 to vector<16xf32>
      %select_n3A_568 = arith.select %eq3A_565, %get3A_526, %broadcast_in_dim3A_567 : vector<16xi1>, vector<16xf32>
      %add3A_569 = arith.constant 12288 : i32
      %add3A_570 = arith.addi %add3A_569, %add3A_520 : i32
      %swap3A_571 = arith.index_cast %add3A_570 : i32 to index
      %swap3A_572 = tpu.vector_load %arg7[%swap3A_571] {strides = array<i32>} : memref<16384xf32, #tpu.memory_space<vmem>>, vector<16xf32>,
      %swap3A_573 = vector.shape_cast %swap3A_572 : vector<16xf32> to vector<16xf32>
      %swap3A_574 = vector.shape_cast %select_n3A_568 : vector<16xf32> to vector<16xf32>
      tpu.vector_store %arg7[%swap3A_571], %swap3A_574 {strides = array<i32>} : memref<16384xf32, #tpu.memory_space<vmem>>, vector<16xf32>,
      %add3A_575 = arith.constant 96 : i32
      %add3A_576 = arith.addi %mul3A_240, %add3A_575 : i32
      %get3A_577 = arith.index_cast %add3A_576 : i32 to index
      %get3A_578 = tpu.vector_load %arg5[%get3A_577] {strides = array<i32>} : memref<4096xi32, #tpu.memory_space<vmem>>, vector<16xi32>,
      %get3A_579 = vector.shape_cast %get3A_578 : vector<16xi32> to vector<16xi32>
      %get3A_580 = arith.index_cast %add3A_576 : i32 to index
      %get3A_581 = tpu.vector_load %arg6[%get3A_580] {strides = array<i32>} : memref<4096xf32, #tpu.memory_space<vmem>>, vector<16xf32>,
      %get3A_582 = vector.shape_cast %get3A_581 : vector<16xf32> to vector<16xf32>
      %eq3A_583 = arith.constant 0 : i32
      %eq3A_584 = vector.broadcast %eq3A_583 : i32 to vector<16xi32>
      %eq3A_585 = arith.cmpi eq, %get3A_579, %eq3A_584 : vector<16xi32>
      %jit3A_586 = arith.constant 0.000000e+00 : f32
      %broadcast_in_dim3A_587 = vector.broadcast %jit3A_586 : f32 to vector<16xf32>
      %select_n3A_588 = arith.select %eq3A_585, %get3A_582, %broadcast_in_dim3A_587 : vector<16xi1>, vector<16xf32>
      %add3A_589 = arith.constant 0 : i32
      %add3A_590 = arith.addi %add3A_589, %add3A_576 : i32
      %swap3A_591 = arith.index_cast %add3A_590 : i32 to index
      %swap3A_592 = tpu.vector_load %arg7[%swap3A_591] {strides = array<i32>} : memref<16384xf32, #tpu.memory_space<vmem>>, vector<16xf32>,
      %swap3A_593 = vector.shape_cast %swap3A_592 : vector<16xf32> to vector<16xf32>
      %swap3A_594 = vector.shape_cast %select_n3A_588 : vector<16xf32> to vector<16xf32>
      tpu.vector_store %arg7[%swap3A_591], %swap3A_594 {strides = array<i32>} : memref<16384xf32, #tpu.memory_space<vmem>>, vector<16xf32>,
      %eq3A_595 = arith.constant 1 : i32
      %eq3A_596 = vector.broadcast %eq3A_595 : i32 to vector<16xi32>
      %eq3A_597 = arith.cmpi eq, %get3A_579, %eq3A_596 : vector<16xi32>
      %jit3A_598 = arith.constant 0.000000e+00 : f32
      %broadcast_in_dim3A_599 = vector.broadcast %jit3A_598 : f32 to vector<16xf32>
      %select_n3A_600 = arith.select %eq3A_597, %get3A_582, %broadcast_in_dim3A_599 : vector<16xi1>, vector<16xf32>
      %add3A_601 = arith.constant 4096 : i32
      %add3A_602 = arith.addi %add3A_601, %add3A_576 : i32
      %swap3A_603 = arith.index_cast %add3A_602 : i32 to index
      %swap3A_604 = tpu.vector_load %arg7[%swap3A_603] {strides = array<i32>} : memref<16384xf32, #tpu.memory_space<vmem>>, vector<16xf32>,
      %swap3A_605 = vector.shape_cast %swap3A_604 : vector<16xf32> to vector<16xf32>
      %swap3A_606 = vector.shape_cast %select_n3A_600 : vector<16xf32> to vector<16xf32>
      tpu.vector_store %arg7[%swap3A_603], %swap3A_606 {strides = array<i32>} : memref<16384xf32, #tpu.memory_space<vmem>>, vector<16xf32>,
      %eq3A_607 = arith.constant 2 : i32
      %eq3A_608 = vector.broadcast %eq3A_607 : i32 to vector<16xi32>
      %eq3A_609 = arith.cmpi eq, %get3A_579, %eq3A_608 : vector<16xi32>
      %jit3A_610 = arith.constant 0.000000e+00 : f32
      %broadcast_in_dim3A_611 = vector.broadcast %jit3A_610 : f32 to vector<16xf32>
      %select_n3A_612 = arith.select %eq3A_609, %get3A_582, %broadcast_in_dim3A_611 : vector<16xi1>, vector<16xf32>
      %add3A_613 = arith.constant 8192 : i32
      %add3A_614 = arith.addi %add3A_613, %add3A_576 : i32
      %swap3A_615 = arith.index_cast %add3A_614 : i32 to index
      %swap3A_616 = tpu.vector_load %arg7[%swap3A_615] {strides = array<i32>} : memref<16384xf32, #tpu.memory_space<vmem>>, vector<16xf32>,
      %swap3A_617 = vector.shape_cast %swap3A_616 : vector<16xf32> to vector<16xf32>
      %swap3A_618 = vector.shape_cast %select_n3A_612 : vector<16xf32> to vector<16xf32>
      tpu.vector_store %arg7[%swap3A_615], %swap3A_618 {strides = array<i32>} : memref<16384xf32, #tpu.memory_space<vmem>>, vector<16xf32>,
      %eq3A_619 = arith.constant 3 : i32
      %eq3A_620 = vector.broadcast %eq3A_619 : i32 to vector<16xi32>
      %eq3A_621 = arith.cmpi eq, %get3A_579, %eq3A_620 : vector<16xi32>
      %jit3A_622 = arith.constant 0.000000e+00 : f32
      %broadcast_in_dim3A_623 = vector.broadcast %jit3A_622 : f32 to vector<16xf32>
      %select_n3A_624 = arith.select %eq3A_621, %get3A_582, %broadcast_in_dim3A_623 : vector<16xi1>, vector<16xf32>
      %add3A_625 = arith.constant 12288 : i32
      %add3A_626 = arith.addi %add3A_625, %add3A_576 : i32
      %swap3A_627 = arith.index_cast %add3A_626 : i32 to index
      %swap3A_628 = tpu.vector_load %arg7[%swap3A_627] {strides = array<i32>} : memref<16384xf32, #tpu.memory_space<vmem>>, vector<16xf32>,
      %swap3A_629 = vector.shape_cast %swap3A_628 : vector<16xf32> to vector<16xf32>
      %swap3A_630 = vector.shape_cast %select_n3A_624 : vector<16xf32> to vector<16xf32>
      tpu.vector_store %arg7[%swap3A_627], %swap3A_630 {strides = array<i32>} : memref<16384xf32, #tpu.memory_space<vmem>>, vector<16xf32>,
      %add3A_631 = arith.constant 112 : i32
      %add3A_632 = arith.addi %mul3A_240, %add3A_631 : i32
      %get3A_633 = arith.index_cast %add3A_632 : i32 to index
      %get3A_634 = tpu.vector_load %arg5[%get3A_633] {strides = array<i32>} : memref<4096xi32, #tpu.memory_space<vmem>>, vector<16xi32>,
      %get3A_635 = vector.shape_cast %get3A_634 : vector<16xi32> to vector<16xi32>
      %get3A_636 = arith.index_cast %add3A_632 : i32 to index
      %get3A_637 = tpu.vector_load %arg6[%get3A_636] {strides = array<i32>} : memref<4096xf32, #tpu.memory_space<vmem>>, vector<16xf32>,
      %get3A_638 = vector.shape_cast %get3A_637 : vector<16xf32> to vector<16xf32>
      %eq3A_639 = arith.constant 0 : i32
      %eq3A_640 = vector.broadcast %eq3A_639 : i32 to vector<16xi32>
      %eq3A_641 = arith.cmpi eq, %get3A_635, %eq3A_640 : vector<16xi32>
      %jit3A_642 = arith.constant 0.000000e+00 : f32
      %broadcast_in_dim3A_643 = vector.broadcast %jit3A_642 : f32 to vector<16xf32>
      %select_n3A_644 = arith.select %eq3A_641, %get3A_638, %broadcast_in_dim3A_643 : vector<16xi1>, vector<16xf32>
      %add3A_645 = arith.constant 0 : i32
      %add3A_646 = arith.addi %add3A_645, %add3A_632 : i32
      %swap3A_647 = arith.index_cast %add3A_646 : i32 to index
      %swap3A_648 = tpu.vector_load %arg7[%swap3A_647] {strides = array<i32>} : memref<16384xf32, #tpu.memory_space<vmem>>, vector<16xf32>,
      %swap3A_649 = vector.shape_cast %swap3A_648 : vector<16xf32> to vector<16xf32>
      %swap3A_650 = vector.shape_cast %select_n3A_644 : vector<16xf32> to vector<16xf32>
      tpu.vector_store %arg7[%swap3A_647], %swap3A_650 {strides = array<i32>} : memref<16384xf32, #tpu.memory_space<vmem>>, vector<16xf32>,
      %eq3A_651 = arith.constant 1 : i32
      %eq3A_652 = vector.broadcast %eq3A_651 : i32 to vector<16xi32>
      %eq3A_653 = arith.cmpi eq, %get3A_635, %eq3A_652 : vector<16xi32>
      %jit3A_654 = arith.constant 0.000000e+00 : f32
      %broadcast_in_dim3A_655 = vector.broadcast %jit3A_654 : f32 to vector<16xf32>
      %select_n3A_656 = arith.select %eq3A_653, %get3A_638, %broadcast_in_dim3A_655 : vector<16xi1>, vector<16xf32>
      %add3A_657 = arith.constant 4096 : i32
      %add3A_658 = arith.addi %add3A_657, %add3A_632 : i32
      %swap3A_659 = arith.index_cast %add3A_658 : i32 to index
      %swap3A_660 = tpu.vector_load %arg7[%swap3A_659] {strides = array<i32>} : memref<16384xf32, #tpu.memory_space<vmem>>, vector<16xf32>,
      %swap3A_661 = vector.shape_cast %swap3A_660 : vector<16xf32> to vector<16xf32>
      %swap3A_662 = vector.shape_cast %select_n3A_656 : vector<16xf32> to vector<16xf32>
      tpu.vector_store %arg7[%swap3A_659], %swap3A_662 {strides = array<i32>} : memref<16384xf32, #tpu.memory_space<vmem>>, vector<16xf32>,
      %eq3A_663 = arith.constant 2 : i32
      %eq3A_664 = vector.broadcast %eq3A_663 : i32 to vector<16xi32>
      %eq3A_665 = arith.cmpi eq, %get3A_635, %eq3A_664 : vector<16xi32>
      %jit3A_666 = arith.constant 0.000000e+00 : f32
      %broadcast_in_dim3A_667 = vector.broadcast %jit3A_666 : f32 to vector<16xf32>
      %select_n3A_668 = arith.select %eq3A_665, %get3A_638, %broadcast_in_dim3A_667 : vector<16xi1>, vector<16xf32>
      %add3A_669 = arith.constant 8192 : i32
      %add3A_670 = arith.addi %add3A_669, %add3A_632 : i32
      %swap3A_671 = arith.index_cast %add3A_670 : i32 to index
      %swap3A_672 = tpu.vector_load %arg7[%swap3A_671] {strides = array<i32>} : memref<16384xf32, #tpu.memory_space<vmem>>, vector<16xf32>,
      %swap3A_673 = vector.shape_cast %swap3A_672 : vector<16xf32> to vector<16xf32>
      %swap3A_674 = vector.shape_cast %select_n3A_668 : vector<16xf32> to vector<16xf32>
      tpu.vector_store %arg7[%swap3A_671], %swap3A_674 {strides = array<i32>} : memref<16384xf32, #tpu.memory_space<vmem>>, vector<16xf32>,
      %eq3A_675 = arith.constant 3 : i32
      %eq3A_676 = vector.broadcast %eq3A_675 : i32 to vector<16xi32>
      %eq3A_677 = arith.cmpi eq, %get3A_635, %eq3A_676 : vector<16xi32>
      %jit3A_678 = arith.constant 0.000000e+00 : f32
      %broadcast_in_dim3A_679 = vector.broadcast %jit3A_678 : f32 to vector<16xf32>
      %select_n3A_680 = arith.select %eq3A_677, %get3A_638, %broadcast_in_dim3A_679 : vector<16xi1>, vector<16xf32>
      %add3A_681 = arith.constant 12288 : i32
      %add3A_682 = arith.addi %add3A_681, %add3A_632 : i32
      %swap3A_683 = arith.index_cast %add3A_682 : i32 to index
      %swap3A_684 = tpu.vector_load %arg7[%swap3A_683] {strides = array<i32>} : memref<16384xf32, #tpu.memory_space<vmem>>, vector<16xf32>,
      %swap3A_685 = vector.shape_cast %swap3A_684 : vector<16xf32> to vector<16xf32>
      %swap3A_686 = vector.shape_cast %select_n3A_680 : vector<16xf32> to vector<16xf32>
      tpu.vector_store %arg7[%swap3A_683], %swap3A_686 {strides = array<i32>} : memref<16384xf32, #tpu.memory_space<vmem>>, vector<16xf32>,
    }
    %scan3A_117 = arith.constant 32 : i32
    %mul3A_118 = arith.constant 4 : i32
    %mul3A_119 = arith.muli %select_n3A, %mul3A_118 : i32
    %add3A_120 = arith.constant 0 : i32
    %add3A_121 = arith.addi %mul3A_119, %add3A_120 : i32
    %mul3A_122 = arith.constant 18192 : i32
    %mul3A_123 = arith.muli %add3A_121, %mul3A_122 : i32
    %add3A_124 = arith.constant 5000 : i32
    %add3A_125 = arith.addi %mul3A_123, %add3A_124 : i32
    %mul3A_126 = arith.constant 4096 : i32
    %mul3A_127 = arith.muli %select_n3A_30, %mul3A_126 : i32
    %add3A_128 = arith.addi %add3A_125, %mul3A_127 : i32
    %multiple_of3A_129 = tpu.assume_multiple %add3A_128, 8 : i32
    %dma_start3A_130 = arith.constant 0 : i32
    %dma_start3A_131 = tpu.memref_slice %arg7[%dma_start3A_130] : memref<16384xf32, #tpu.memory_space<vmem>> -> memref<4096xf32, #tpu.memory_space<vmem>>
    %dma_start3A_132 = tpu.memref_slice %arg4[%multiple_of3A_129] : memref<1164288xf32, #tpu.memory_space<hbm>> -> memref<4096xf32, #tpu.memory_space<hbm>>
    %dma_start3A_133 = tpu.memref_slice %arg4[%multiple_of3A_129] : memref<1164288xf32, #tpu.memory_space<hbm>> -> memref<4096xf32, #tpu.memory_space<hbm>>
    %dma_start3A_134 = arith.constant 0 : i32
    %dma_start3A_135 = tpu.memref_slice %arg7[%dma_start3A_134] : memref<16384xf32, #tpu.memory_space<vmem>> -> memref<4096xf32, #tpu.memory_space<vmem>>
    tpu.enqueue_dma source(%dma_start3A_135 : memref<4096xf32, #tpu.memory_space<vmem>>) target(%dma_start3A_133 : memref<4096xf32, #tpu.memory_space<hbm>>) target_semaphore(%arg10 : memref<!tpu.dma_semaphore, #tpu.memory_space<semaphore_mem>>)
    %mul3A_136 = arith.constant 4 : i32
    %mul3A_137 = arith.muli %select_n3A, %mul3A_136 : i32
    %add3A_138 = arith.constant 1 : i32
    %add3A_139 = arith.addi %mul3A_137, %add3A_138 : i32
    %mul3A_140 = arith.constant 18192 : i32
    %mul3A_141 = arith.muli %add3A_139, %mul3A_140 : i32
    %add3A_142 = arith.constant 5000 : i32
    %add3A_143 = arith.addi %mul3A_141, %add3A_142 : i32
    %mul3A_144 = arith.constant 4096 : i32
    %mul3A_145 = arith.muli %select_n3A_30, %mul3A_144 : i32
    %add3A_146 = arith.addi %add3A_143, %mul3A_145 : i32
    %multiple_of3A_147 = tpu.assume_multiple %add3A_146, 8 : i32
    %dma_start3A_148 = arith.constant 4096 : i32
    %dma_start3A_149 = tpu.memref_slice %arg7[%dma_start3A_148] : memref<16384xf32, #tpu.memory_space<vmem>> -> memref<4096xf32, #tpu.memory_space<vmem>>
    %dma_start3A_150 = tpu.memref_slice %arg4[%multiple_of3A_147] : memref<1164288xf32, #tpu.memory_space<hbm>> -> memref<4096xf32, #tpu.memory_space<hbm>>
    %dma_start3A_151 = tpu.memref_slice %arg4[%multiple_of3A_147] : memref<1164288xf32, #tpu.memory_space<hbm>> -> memref<4096xf32, #tpu.memory_space<hbm>>
    %dma_start3A_152 = arith.constant 4096 : i32
    %dma_start3A_153 = tpu.memref_slice %arg7[%dma_start3A_152] : memref<16384xf32, #tpu.memory_space<vmem>> -> memref<4096xf32, #tpu.memory_space<vmem>>
    tpu.enqueue_dma source(%dma_start3A_153 : memref<4096xf32, #tpu.memory_space<vmem>>) target(%dma_start3A_151 : memref<4096xf32, #tpu.memory_space<hbm>>) target_semaphore(%arg10 : memref<!tpu.dma_semaphore, #tpu.memory_space<semaphore_mem>>)
    %mul3A_154 = arith.constant 4 : i32
    %mul3A_155 = arith.muli %select_n3A, %mul3A_154 : i32
    %add3A_156 = arith.constant 2 : i32
    %add3A_157 = arith.addi %mul3A_155, %add3A_156 : i32
    %mul3A_158 = arith.constant 18192 : i32
    %mul3A_159 = arith.muli %add3A_157, %mul3A_158 : i32
    %add3A_160 = arith.constant 5000 : i32
    %add3A_161 = arith.addi %mul3A_159, %add3A_160 : i32
    %mul3A_162 = arith.constant 4096 : i32
    %mul3A_163 = arith.muli %select_n3A_30, %mul3A_162 : i32
    %add3A_164 = arith.addi %add3A_161, %mul3A_163 : i32
    %multiple_of3A_165 = tpu.assume_multiple %add3A_164, 8 : i32
    %dma_start3A_166 = arith.constant 8192 : i32
    %dma_start3A_167 = tpu.memref_slice %arg7[%dma_start3A_166] : memref<16384xf32, #tpu.memory_space<vmem>> -> memref<4096xf32, #tpu.memory_space<vmem>>
    %dma_start3A_168 = tpu.memref_slice %arg4[%multiple_of3A_165] : memref<1164288xf32, #tpu.memory_space<hbm>> -> memref<4096xf32, #tpu.memory_space<hbm>>
    %dma_start3A_169 = tpu.memref_slice %arg4[%multiple_of3A_165] : memref<1164288xf32, #tpu.memory_space<hbm>> -> memref<4096xf32, #tpu.memory_space<hbm>>
    %dma_start3A_170 = arith.constant 8192 : i32
    %dma_start3A_171 = tpu.memref_slice %arg7[%dma_start3A_170] : memref<16384xf32, #tpu.memory_space<vmem>> -> memref<4096xf32, #tpu.memory_space<vmem>>
    tpu.enqueue_dma source(%dma_start3A_171 : memref<4096xf32, #tpu.memory_space<vmem>>) target(%dma_start3A_169 : memref<4096xf32, #tpu.memory_space<hbm>>) target_semaphore(%arg10 : memref<!tpu.dma_semaphore, #tpu.memory_space<semaphore_mem>>)
    %mul3A_172 = arith.constant 4 : i32
    %mul3A_173 = arith.muli %select_n3A, %mul3A_172 : i32
    %add3A_174 = arith.constant 3 : i32
    %add3A_175 = arith.addi %mul3A_173, %add3A_174 : i32
    %mul3A_176 = arith.constant 18192 : i32
    %mul3A_177 = arith.muli %add3A_175, %mul3A_176 : i32
    %add3A_178 = arith.constant 5000 : i32
    %add3A_179 = arith.addi %mul3A_177, %add3A_178 : i32
    %mul3A_180 = arith.constant 4096 : i32
    %mul3A_181 = arith.muli %select_n3A_30, %mul3A_180 : i32
    %add3A_182 = arith.addi %add3A_179, %mul3A_181 : i32
    %multiple_of3A_183 = tpu.assume_multiple %add3A_182, 8 : i32
    %dma_start3A_184 = arith.constant 12288 : i32
    %dma_start3A_185 = tpu.memref_slice %arg7[%dma_start3A_184] : memref<16384xf32, #tpu.memory_space<vmem>> -> memref<4096xf32, #tpu.memory_space<vmem>>
    %dma_start3A_186 = tpu.memref_slice %arg4[%multiple_of3A_183] : memref<1164288xf32, #tpu.memory_space<hbm>> -> memref<4096xf32, #tpu.memory_space<hbm>>
    %dma_start3A_187 = tpu.memref_slice %arg4[%multiple_of3A_183] : memref<1164288xf32, #tpu.memory_space<hbm>> -> memref<4096xf32, #tpu.memory_space<hbm>>
    %dma_start3A_188 = arith.constant 12288 : i32
    %dma_start3A_189 = tpu.memref_slice %arg7[%dma_start3A_188] : memref<16384xf32, #tpu.memory_space<vmem>> -> memref<4096xf32, #tpu.memory_space<vmem>>
    tpu.enqueue_dma source(%dma_start3A_189 : memref<4096xf32, #tpu.memory_space<vmem>>) target(%dma_start3A_187 : memref<4096xf32, #tpu.memory_space<hbm>>) target_semaphore(%arg10 : memref<!tpu.dma_semaphore, #tpu.memory_space<semaphore_mem>>)
    %dma_wait3A_190 = arith.constant 0 : i32
    %dma_wait3A_191 = tpu.memref_slice %arg8[%dma_wait3A_190] : memref<5120xf32, #tpu.memory_space<vmem>> -> memref<5000xf32, #tpu.memory_space<vmem>>
    %dma_wait3A_192 = tpu.memref_slice %arg4[%multiple_of3A_54] : memref<1164288xf32, #tpu.memory_space<hbm>> -> memref<5000xf32, #tpu.memory_space<hbm>>
    %dma_wait3A_193 = tpu.memref_slice %arg4[%multiple_of3A_54] : memref<1164288xf32, #tpu.memory_space<hbm>> -> memref<5000xf32, #tpu.memory_space<hbm>>
    %dma_wait3A_194 = arith.constant 0 : i32
    %dma_wait3A_195 = tpu.memref_slice %arg8[%dma_wait3A_194] : memref<5120xf32, #tpu.memory_space<vmem>> -> memref<5000xf32, #tpu.memory_space<vmem>>
    tpu.wait_dma2 semaphore(%arg10 : memref<!tpu.dma_semaphore, #tpu.memory_space<semaphore_mem>>) src(%dma_wait3A_195 : memref<5000xf32, #tpu.memory_space<vmem>>) dst(%dma_wait3A_193 : memref<5000xf32, #tpu.memory_space<hbm>>)
    %dma_wait3A_196 = arith.constant 0 : i32
    %dma_wait3A_197 = tpu.memref_slice %arg8[%dma_wait3A_196] : memref<5120xf32, #tpu.memory_space<vmem>> -> memref<5000xf32, #tpu.memory_space<vmem>>
    %dma_wait3A_198 = tpu.memref_slice %arg4[%multiple_of3A_70] : memref<1164288xf32, #tpu.memory_space<hbm>> -> memref<5000xf32, #tpu.memory_space<hbm>>
    %dma_wait3A_199 = tpu.memref_slice %arg4[%multiple_of3A_70] : memref<1164288xf32, #tpu.memory_space<hbm>> -> memref<5000xf32, #tpu.memory_space<hbm>>
    %dma_wait3A_200 = arith.constant 0 : i32
    %dma_wait3A_201 = tpu.memref_slice %arg8[%dma_wait3A_200] : memref<5120xf32, #tpu.memory_space<vmem>> -> memref<5000xf32, #tpu.memory_space<vmem>>
    tpu.wait_dma2 semaphore(%arg10 : memref<!tpu.dma_semaphore, #tpu.memory_space<semaphore_mem>>) src(%dma_wait3A_201 : memref<5000xf32, #tpu.memory_space<vmem>>) dst(%dma_wait3A_199 : memref<5000xf32, #tpu.memory_space<hbm>>)
    %dma_wait3A_202 = arith.constant 0 : i32
    %dma_wait3A_203 = tpu.memref_slice %arg8[%dma_wait3A_202] : memref<5120xf32, #tpu.memory_space<vmem>> -> memref<5000xf32, #tpu.memory_space<vmem>>
    %dma_wait3A_204 = tpu.memref_slice %arg4[%multiple_of3A_86] : memref<1164288xf32, #tpu.memory_space<hbm>> -> memref<5000xf32, #tpu.memory_space<hbm>>
    %dma_wait3A_205 = tpu.memref_slice %arg4[%multiple_of3A_86] : memref<1164288xf32, #tpu.memory_space<hbm>> -> memref<5000xf32, #tpu.memory_space<hbm>>
    %dma_wait3A_206 = arith.constant 0 : i32
    %dma_wait3A_207 = tpu.memref_slice %arg8[%dma_wait3A_206] : memref<5120xf32, #tpu.memory_space<vmem>> -> memref<5000xf32, #tpu.memory_space<vmem>>
    tpu.wait_dma2 semaphore(%arg10 : memref<!tpu.dma_semaphore, #tpu.memory_space<semaphore_mem>>) src(%dma_wait3A_207 : memref<5000xf32, #tpu.memory_space<vmem>>) dst(%dma_wait3A_205 : memref<5000xf32, #tpu.memory_space<hbm>>)
    %dma_wait3A_208 = arith.constant 0 : i32
    %dma_wait3A_209 = tpu.memref_slice %arg8[%dma_wait3A_208] : memref<5120xf32, #tpu.memory_space<vmem>> -> memref<5000xf32, #tpu.memory_space<vmem>>
    %dma_wait3A_210 = tpu.memref_slice %arg4[%multiple_of3A_102] : memref<1164288xf32, #tpu.memory_space<hbm>> -> memref<5000xf32, #tpu.memory_space<hbm>>
    %dma_wait3A_211 = tpu.memref_slice %arg4[%multiple_of3A_102] : memref<1164288xf32, #tpu.memory_space<hbm>> -> memref<5000xf32, #tpu.memory_space<hbm>>
    %dma_wait3A_212 = arith.constant 0 : i32
    %dma_wait3A_213 = tpu.memref_slice %arg8[%dma_wait3A_212] : memref<5120xf32, #tpu.memory_space<vmem>> -> memref<5000xf32, #tpu.memory_space<vmem>>
    tpu.wait_dma2 semaphore(%arg10 : memref<!tpu.dma_semaphore, #tpu.memory_space<semaphore_mem>>) src(%dma_wait3A_213 : memref<5000xf32, #tpu.memory_space<vmem>>) dst(%dma_wait3A_211 : memref<5000xf32, #tpu.memory_space<hbm>>)
    %dma_wait3A_214 = arith.constant 0 : i32
    %dma_wait3A_215 = tpu.memref_slice %arg7[%dma_wait3A_214] : memref<16384xf32, #tpu.memory_space<vmem>> -> memref<4096xf32, #tpu.memory_space<vmem>>
    %dma_wait3A_216 = tpu.memref_slice %arg4[%multiple_of3A_129] : memref<1164288xf32, #tpu.memory_space<hbm>> -> memref<4096xf32, #tpu.memory_space<hbm>>
    %dma_wait3A_217 = tpu.memref_slice %arg4[%multiple_of3A_129] : memref<1164288xf32, #tpu.memory_space<hbm>> -> memref<4096xf32, #tpu.memory_space<hbm>>
    %dma_wait3A_218 = arith.constant 0 : i32
    %dma_wait3A_219 = tpu.memref_slice %arg7[%dma_wait3A_218] : memref<16384xf32, #tpu.memory_space<vmem>> -> memref<4096xf32, #tpu.memory_space<vmem>>
    tpu.wait_dma2 semaphore(%arg10 : memref<!tpu.dma_semaphore, #tpu.memory_space<semaphore_mem>>) src(%dma_wait3A_219 : memref<4096xf32, #tpu.memory_space<vmem>>) dst(%dma_wait3A_217 : memref<4096xf32, #tpu.memory_space<hbm>>)
    %dma_wait3A_220 = arith.constant 4096 : i32
    %dma_wait3A_221 = tpu.memref_slice %arg7[%dma_wait3A_220] : memref<16384xf32, #tpu.memory_space<vmem>> -> memref<4096xf32, #tpu.memory_space<vmem>>
    %dma_wait3A_222 = tpu.memref_slice %arg4[%multiple_of3A_147] : memref<1164288xf32, #tpu.memory_space<hbm>> -> memref<4096xf32, #tpu.memory_space<hbm>>
    %dma_wait3A_223 = tpu.memref_slice %arg4[%multiple_of3A_147] : memref<1164288xf32, #tpu.memory_space<hbm>> -> memref<4096xf32, #tpu.memory_space<hbm>>
    %dma_wait3A_224 = arith.constant 4096 : i32
    %dma_wait3A_225 = tpu.memref_slice %arg7[%dma_wait3A_224] : memref<16384xf32, #tpu.memory_space<vmem>> -> memref<4096xf32, #tpu.memory_space<vmem>>
    tpu.wait_dma2 semaphore(%arg10 : memref<!tpu.dma_semaphore, #tpu.memory_space<semaphore_mem>>) src(%dma_wait3A_225 : memref<4096xf32, #tpu.memory_space<vmem>>) dst(%dma_wait3A_223 : memref<4096xf32, #tpu.memory_space<hbm>>)
    %dma_wait3A_226 = arith.constant 8192 : i32
    %dma_wait3A_227 = tpu.memref_slice %arg7[%dma_wait3A_226] : memref<16384xf32, #tpu.memory_space<vmem>> -> memref<4096xf32, #tpu.memory_space<vmem>>
    %dma_wait3A_228 = tpu.memref_slice %arg4[%multiple_of3A_165] : memref<1164288xf32, #tpu.memory_space<hbm>> -> memref<4096xf32, #tpu.memory_space<hbm>>
    %dma_wait3A_229 = tpu.memref_slice %arg4[%multiple_of3A_165] : memref<1164288xf32, #tpu.memory_space<hbm>> -> memref<4096xf32, #tpu.memory_space<hbm>>
    %dma_wait3A_230 = arith.constant 8192 : i32
    %dma_wait3A_231 = tpu.memref_slice %arg7[%dma_wait3A_230] : memref<16384xf32, #tpu.memory_space<vmem>> -> memref<4096xf32, #tpu.memory_space<vmem>>
    tpu.wait_dma2 semaphore(%arg10 : memref<!tpu.dma_semaphore, #tpu.memory_space<semaphore_mem>>) src(%dma_wait3A_231 : memref<4096xf32, #tpu.memory_space<vmem>>) dst(%dma_wait3A_229 : memref<4096xf32, #tpu.memory_space<hbm>>)
    %dma_wait3A_232 = arith.constant 12288 : i32
    %dma_wait3A_233 = tpu.memref_slice %arg7[%dma_wait3A_232] : memref<16384xf32, #tpu.memory_space<vmem>> -> memref<4096xf32, #tpu.memory_space<vmem>>
    %dma_wait3A_234 = tpu.memref_slice %arg4[%multiple_of3A_183] : memref<1164288xf32, #tpu.memory_space<hbm>> -> memref<4096xf32, #tpu.memory_space<hbm>>
    %dma_wait3A_235 = tpu.memref_slice %arg4[%multiple_of3A_183] : memref<1164288xf32, #tpu.memory_space<hbm>> -> memref<4096xf32, #tpu.memory_space<hbm>>
    %dma_wait3A_236 = arith.constant 12288 : i32
    %dma_wait3A_237 = tpu.memref_slice %arg7[%dma_wait3A_236] : memref<16384xf32, #tpu.memory_space<vmem>> -> memref<4096xf32, #tpu.memory_space<vmem>>
    tpu.wait_dma2 semaphore(%arg10 : memref<!tpu.dma_semaphore, #tpu.memory_space<semaphore_mem>>) src(%dma_wait3A_237 : memref<4096xf32, #tpu.memory_space<vmem>>) dst(%dma_wait3A_235 : memref<4096xf32, #tpu.memory_space<hbm>>)
    return
  }
}

</mosaic_0001>

<sc_bundles>
// kernel: kernel.3.cloned.1.call-start
scs
__scs_entry_jumppad:
0x0: {  	(pc) =	sbr.rel $0x88, $3  }
0x1: {  	(tag) =	ssettag $0x0;
	lr =	simm.s32 $0x1  }
0x2: {  	[smem:$0x3F9F] =	sst lr;
	_ =	strace $0xD0000000  }
0x3: {  	_ = 	snop  }
0x4: {  	_ = 	snop  }
0x5: {  	_ = 	snop  }
0x6: {  	_ = 	snop  }
0x7: {  	_ = 	snop  }
__scs_overlays_trampoline_lowered:
0x8: {  	[smem:$0x3FAE] =	sst s0  }
0x9: {  	[smem:$0x3FAF] =	sst s1  }
0xa: {  	[smem:$0x3FB0] =	sst s2  }
0xb: {  	[smem:$0x3FB1] =	sst s3  }
0xc: {  	[smem:$0x3FB2] =	sst s4  }
0xd: {  	[smem:$0x3FB3] =	sst s5  }
0xe: {  	[smem:$0x3FB4] =	sst s6  }
0xf: {  	[smem:$0x3FB5] =	sst s7  }
0x10: {  	[smem:$0x3FB6] =	sst s8  }
0x11: {  	[smem:$0x3FB7] =	sst s9;
	s0 =	simm.s32 @!p0 $0x0  }
0x12: {  	s1 =	sld [smem:$0x3F9D];
	s0 =	simm.s32 @p0 $0x1  }
0x13: {  	[smem:$0x3FB8] =	sst s0;
	s0 =	simm.s32 @!p1 $0x0  }
0x14: {  	s2 =	sld [smem:$0x3F9C];
	s0 =	simm.s32 @p1 $0x1  }
0x15: {  	[smem:$0x3FB9] =	sst s0;
	s0 =	simm.s32 @!p2 $0x0  }
0x16: {  	s3 =	sld [smem:$0x3FDB];
	s0 =	simm.s32 @p2 $0x1  }
0x17: {  	s4 =	simm.s32 $0x1BF5;
	[smem:$0x3FBB] =	sst s0  }
0x18: {  	s0 =	sld [smem:$0x3F9E];
	_ =	swait.ge [sflag:s4], $0x0  }
0x19: {  	s7 =	sld [smem:$0x3F9F]  }
0x1a: {  	s8 =	sadd.s32 $0xFFFFE003, lr  }
0x1b: {  	s9 =	sadd.s32 $0xFFFFFEF7, lr;
	s5 =	simm.s32 $0xFFFFFFFF;
	p2 =	slt.u32 s8, $0xFFFFF086  }
0x1c: {  	p1 =	slt.u32 s9, $0xF7A;
	s5 =	simm.s32 @!p2 $0x0  }
0x1d: {  	s5 =	simm.s32 @p1 $0x1;
	p0 =	seq.s32 s7, s2  }
0x1e: {  	s7 =	smul.u32 @!p0 $0xF7A, s2;
	p2 =	seq.s32 @!p0 s5, $0x0  }
0x1f: {  	s9 =	smul.u32 $0xF7A, s1;
	s8 =	simm.s32 @!p0 $0x1BF5;
	p2 =	por !p2, p0  }
0x20: {  	[sflag:s8] =	ssyncset.s32 @!p0 $0xFFFFF086;
	s6 =	sadd.s32 @!p0 s3, s7;
	s7 =	simm.s32 @!p0 $0x108  }
0x21: {  	s3 =	sadd.s32 s3, s9;
	s6 =	sadd.s32 @!p0 $0x88, s6;
	s7 =	simm.s32 @p2 $0x1082  }
0x22: {  	[simem:s7], [sflag:s8] =	dma.local @!p0 [hbm:s6], $0xF7A  }
0x23: {  	s9 =	sor.u32 $0xD0000000, s2;
	s6 =	simm.s32 $0x108;
	_ =	swait.ge @!p0 [sflag:s8], $0x0  }
0x24: {  	s3 =	sadd.s32 $0x88, s3;
	s6 =	simm.s32 @!p1 $0x1082;
	[sflag:s4] =	ssyncset.s32 $0xFFFFF086  }
0x25: {  	[simem:s6], [sflag:s4] =	dma.local [hbm:s3], $0xF7A  }
0x26: {  	[smem:$0x3F9F] =	sst s1;
	(tag) =	ssettag s2;
	_ =	strace s9  }
0x27: {  	s1 =	sld [smem:$0x3FAF]  }
0x28: {  	s2 =	sld [smem:$0x3FB0]  }
0x29: {  	s4 =	sld [smem:$0x3FB2]  }
0x2a: {  	p0 =	seq.s32 s5, $0x0;
	s5 =	sld [smem:$0x3FB3]  }
0x2b: {  	s6 =	sld [smem:$0x3FB4]  }
0x2c: {  	s7 =	sld [smem:$0x3FB5]  }
0x2d: {  	s3 =	simm.s32 $0x108;
	s8 =	sld [smem:$0x3FB6]  }
0x2e: {  	s3 =	simm.s32 @!p0 $0x1082;
	s9 =	sld [smem:$0x3FB7]  }
0x2f: {  	lr =	sadd.s32 s0, s3;
	s0 =	sld [smem:$0x3FAE]  }
0x30: {  	s3 =	sld [smem:$0x3FB1]  }
0x31: {  	[smem:$0x3FBA] =	sst s10  }
0x32: {  	s10 =	sld [smem:$0x3FB8];
	_ =	sdelay $0x3  }
0x33: {  	p0 =	seq.s32 s10, $0x1;
	s10 =	sld [smem:$0x3FBA];
	_ =	sdelay $0x3  }
0x34: {  	[smem:$0x3FBA] =	sst s10  }
0x35: {  	s10 =	sld [smem:$0x3FB9];
	_ =	sdelay $0x3  }
0x36: {  	p1 =	seq.s32 s10, $0x1;
	s10 =	sld [smem:$0x3FBA];
	_ =	sdelay $0x3  }
0x37: {  	[smem:$0x3FBA] =	sst s10  }
0x38: {  	s10 =	sld [smem:$0x3FBB]  }
0x39: {  	_ = 	snop;
	(pc) =	sbr.ind lr, $3  }
0x3a: {  	_ = 	snop  }
0x3b: {  	_ = 	snop  }
0x3c: {  	p2 =	seq.s32 s10, $0x1;
	s10 =	sld [smem:$0x3FBA]  }
0x3d: {  	_ =	shalt  }
0x3e: {  	_ =	shalt  }
0x3f: {  	_ =	shalt  }
0x40: {  	_ =	shalt  }
0x41: {  	_ =	shalt  }
0x42: {  	_ =	shalt  }
0x43: {  	_ =	shalt  }
0x44: {  	_ =	shalt  }
0x45: {  	_ =	shalt  }
0x46: {  	_ =	shalt  }
0x47: {  	_ =	shalt  }
0x48: {  	_ =	shalt  }
0x49: {  	_ =	shalt  }
0x4a: {  	_ =	shalt  }
0x4b: {  	_ =	shalt  }
0x4c: {  	_ =	shalt  }
0x4d: {  	_ =	shalt  }
0x4e: {  	_ =	shalt  }
0x4f: {  	_ =	shalt  }
0x50: {  	_ =	shalt  }
0x51: {  	_ =	shalt  }
0x52: {  	_ =	shalt  }
0x53: {  	_ =	shalt  }
0x54: {  	_ =	shalt  }
0x55: {  	_ =	shalt  }
0x56: {  	_ =	shalt  }
0x57: {  	_ =	shalt  }
0x58: {  	_ =	shalt  }
0x59: {  	_ =	shalt  }
0x5a: {  	_ =	shalt  }
0x5b: {  	_ =	shalt  }
0x5c: {  	_ =	shalt  }
0x5d: {  	_ =	shalt  }
0x5e: {  	_ =	shalt  }
0x5f: {  	_ =	shalt  }
0x60: {  	_ =	shalt  }
0x61: {  	_ =	shalt  }
0x62: {  	_ =	shalt  }
0x63: {  	_ =	shalt  }
0x64: {  	_ =	shalt  }
0x65: {  	_ =	shalt  }
0x66: {  	_ =	shalt  }
0x67: {  	_ =	shalt  }
0x68: {  	_ =	shalt  }
0x69: {  	_ =	shalt  }
0x6a: {  	_ =	shalt  }
0x6b: {  	_ =	shalt  }
0x6c: {  	_ =	shalt  }
0x6d: {  	_ =	shalt  }
0x6e: {  	_ =	shalt  }
0x6f: {  	_ =	shalt  }
0x70: {  	_ =	shalt  }
0x71: {  	_ =	shalt  }
0x72: {  	_ =	shalt  }
0x73: {  	_ =	shalt  }
0x74: {  	_ =	shalt  }
0x75: {  	_ =	shalt  }
0x76: {  	_ =	shalt  }
0x77: {  	_ =	shalt  }
0x78: {  	_ =	shalt  }
0x79: {  	_ =	shalt  }
0x7a: {  	_ =	shalt  }
0x7b: {  	_ =	shalt  }
0x7c: {  	_ =	shalt  }
0x7d: {  	_ =	shalt  }
0x7e: {  	_ =	shalt  }
0x7f: {  	_ =	shalt  }
0x80: {  	_ =	shalt  }
0x81: {  	_ =	shalt  }
0x82: {  	_ =	shalt  }
0x83: {  	_ =	shalt  }
0x84: {  	_ =	shalt  }
0x85: {  	_ =	shalt  }
0x86: {  	_ =	shalt  }
0x87: {  	_ =	shalt  }
.Lfunc_end0:
.L_simem_size_0:
called_computation_lowered:
.L_overlay_start_0:
0x88: {  	s2 =	sld [smem:$0x3FD9]  }
0x89: {  	s3 =	sld [smem:$0x3FFE];
	_ =	sdelay $0x1  }
0x8a: {  	s1 =	srdreg.scid  }
0x8b: {  	s0 =	sand.u32 $0x1, s1  }
0x8c: {  	s17 =	sshll.u32 s0, $0xA;
	s2 =	sadd.s32 s3, s2  }
0x8d: {  	s2 =	sadd.s32 s2, s17  }
0x8e: {  	[smem:$0x3FC6] =	sst s2  }
0x8f: {  	_ = 	snop  }
0x90: {  	s2 =	sld [smem:$0x3FD0];
	(tm) =	ssettm $0x1  }
0x91: {  	s18 =	sld [smem:$0x3FFB];
	_ =	sdelay $0x3  }
0x92: {  	_ =	strace s18  }
0x93: {  	s3 =	sld [smem:$0x3FFC];
	_ =	sdelay $0x3  }
0x94: {  	_ =	strace s3  }
0x95: {  	s3 =	sld [smem:$0x3FFD];
	_ =	sdelay $0x3  }
0x96: {  	_ =	strace s3  }
0x97: {  	_ =	strace $0x8FFFFFFF  }
0x98: {  	s19 =	sld [smem:$0x3FDB];
	_ =	sdelay $0x1  }
0x99: {  	s4 =	simm.s32 $_scs_section_size  }
0x9a: {  	s5 =	simm.s32 $_size__tile_overlayer_lowered;
	s6 =	simm.s32 $_tile_overlayer_lowered  }
0x9b: {  	s22 =	simm.s32 $0x1BFF;
	s21 =	sshll.u32 s6, $0x1;
	s3 =	sadd.s32 s4, s19  }
0x9c: {  	s7 =	simm.s32 $0x0;
	s20 =	sshll.u32 s5, $0x1;
	s5 =	sadd.s32 s21, s3  }
0x9d: {  	[timem:s7], [sflag:s22] =	dma.local [hbm:s5], s20  }
0x9e: {  	_ =	swait.ge [sflag:s22], s20  }
0x9f: {  	s4 =	ssub.s32 $0x0, s20;
	[sflag:s22] =	ssyncset.done $0x0  }
0xa0: {  	[sflag:s22] =	ssyncadd.s32 s4;
	_ =	sdelay $0x1  }
0xa1: {  	s23 =	simm.s32 $0x1B8B  }
0xa2: {  	_ =	swait.ge [sflag:s23], $0x1  }
0xa3: {  	[sflag:s23] =	ssyncset.done $0x0  }
0xa4: {  	s25 =	simm.s32 $0x1B8E;
	s24 =	sld [smem:$0x3FFE];
	[sflag:s23] =	ssyncadd.s32 $0xFFFFFFFF  }
0xa5: {  	s26 =	simm.s32 $execute0_lowered;
	[smem:$0x3FD2] =	sst s25  }
0xa6: {  	s5 =	sshll.u32 s26, $0x1;
	_ =	strace $0x80000046;
	[dreg:$0x1] =	wrdreg $0xFFFFFFFF  }
0xa7: {  	s28 =	simm.s32 $_size_execute0_lowered;
	s3 =	sadd.s32 s3, s5;
	[dreg:$0x0] =	wrdreg $0x0  }
0xa8: {  	s5 =	sshll.u32 s28, $0x1;
	[dreg:$0x2] =	wrdreg s3  }
0xa9: {  	[dreg:$0x3] =	wrdreg s5  }
0xaa: {  	[dreg:$0x4] =	wrdreg $0xC0  }
0xab: {  	_ =	task [dreg:s7], $0x5FFFF  }
0xac: {  	[dreg:$0x1] =	wrdreg $0xFFFFFFFF  }
0xad: {  	[dreg:$0x0] =	wrdreg $0x60  }
0xae: {  	[dreg:$0x2] =	wrdreg s2  }
0xaf: {  	[dreg:$0x3] =	wrdreg s24  }
0xb0: {  	[dreg:$0x4] =	wrdreg $0x9  }
0xb1: {  	_ =	task.clear_ibuf [dreg:s7], $0x5FFFF;
	_ =	strace $0x90000046  }
0xb2: {  	s29 =	simm.s32 $0x9;
	_ =	strace $0x80000048  }
0xb3: {  	_ =	swait.ge [sflag:s29], $0x1  }
0xb4: {  	[sflag:s29] =	ssyncadd.s32 $0xFFFFFFFF  }
0xb5: {  	_ =	strace $0x90000048  }
0xb6: {  	_ =	sfence  }
0xb7: {  	s30 =	sld [smem:$0x0];
	_ =	sdelay $0x2  }
0xb8: {  	s31 =	sshll.u32 s1, $0xD;
	s1 =	sshrl.u32 s1, $0x2  }
0xb9: {  	s3 =	sand.u32 $0x4000, s31;
	s1 =	sadd.s32 s1, s30  }
0xba: {  	s0 =	sor.u32 s3, s0;
	s1 =	sshll.u32 s1, $0x11  }
0xbb: {  	s0 =	sor.u32 s1, s0  }
0xbc: {  	s0 =	sadd.s32 $0x8F2B, s0  }
0xbd: {  	[sflag:s0] =	ssyncadd.remote.s32 $0x1  }
0xbe: {  	_ =	sfence.sel $0xFFFF  }
0xbf: {  	[dreg:$0x0] =	wrdreg $0xFFFFFFFF;
	(pc) =	sbr.abs _section_cstart, $3  }
0xc0: {  	[dreg:$0x1] =	wrdreg $0xFFFFFFFF  }
0xc1: {  	_ =	task.clear_ibuf [dreg:s7], $0x2FFFF;
	_ =	strace $0x9FFFFFFF  }
0xc2: {  	(tm) =	ssettm $0x7FFFFFFF  }
0xc3: {  	_ =	shalt  }
tec
execute0_lowered:
.L_overlay_start_1:
0x0: {  	(tag) =	ssettag $0x1  }
0x1: {  	s1 =	srdreg.scid;
	s5 =	rddreg [dreg:$0x0]  }
0x2: {  	s0 =	stileid.u32;
	s2 =	simm.s32 $0x1;
	s6 =	rddreg [dreg:$0x1]  }
0x3: {  	s17 =	simm.s32 $0x2000;
	s18 =	simm.s32 $0x3000;
	s4 =	sand.u32 $0x1, s1  }
0x4: {  	s19 =	simm.s32 $0x4000;
	s20 =	simm.s32 $0x5000;
	s1 =	sor.u32 s4, s0  }
0x5: {  	s21 =	simm.s32 $0x2;
	p1 =	seq.s32 s4, $0x1;
	p0 =	seq.s32 s1, $0x0  }
0x6: {  	s22 =	simm.s32 $0x0;
	s8 =	sshll.u32 s4, $0xC;
	p0 =	por !p0, !p1  }
0x7: {  	s10 =	smul.u32 $0x3388, s4;
	s4 =	ssub.s32 $0x2, s4;
	p0 =	por !p0, !p0  }
0x8: {  	s13 =	sadd.s32 $0x4400, s6;
	s23 =	sshrl.u32 s4, $0x1;
	s2 =	simm.s32 @!p0 $0x0  }
0x9: {  	s1 =	rddreg [dreg:$0x2];
	s14 =	ssub.s32 s4, s23;
	s3 =	ssub.s32 s0, s2  }
0xa: {  	s14 =	smax.u32 s14, $0x1;
	s2 =	simm.s32 $0x0;
	s7 =	sshll.u32 s3, $0xD  }
0xb: {  	[smem:$0x7FF] =	sst s2;
	s9 =	smul.u32 $0x11C40, s3;
	s7 =	sor.u32 s8, s7  }
0xc: {  	s3 =	simm.s32 $0x1;
	_ =	strace $0x80000047;
	s7 =	sshrl.u32 s7, $0x3  }
0xd: {  	s10 =	sadd.s32 s10, s9;
	s28 =	sadd.s32 s8, s9;
	s11 =	sadd.s32 s7, s6  }
0xe: {  	s4 =	sadd.s32 s5, s7;
	s24 =	sadd.s32 $0x4710, s10;
	s25 =	sshrl.u32 s10, $0x3  }
0xf: {  	s29 =	sadd.s32 $0x8E20, s10;
	s30 =	sadd.s32 $0xD530, s10;
	s31 =	sadd.s32 $0x1388, s28  }
0x10: {  	s12 =	sadd.s32 $0x5A98, s28;
	s15 =	sadd.s32 $0xA1A8, s28;
	s5 =	sadd.s32 $0x400, s11  }
0x11: {  	s26 =	sshrl.u32 s24, $0x3;
	s6 =	sadd.s32 s13, s25;
	s8 =	sshrl.u32 s29, $0x3  }
0x12: {  	s9 =	sshrl.u32 s30, $0x3;
	s10 =	sshrl.u32 s31, $0x3;
	s11 =	sadd.s32 $0xE8B8, s28  }
0x13: {  	s12 =	sshrl.u32 s12, $0x3;
	s15 =	sshrl.u32 s15, $0x3;
	s7 =	sadd.s32 s13, s26  }
0x14: {  	s8 =	sadd.s32 s13, s8;
	s9 =	sadd.s32 s13, s9;
	s10 =	sadd.s32 s13, s10  }
0x15: {  	s16 =	sshrl.u32 s11, $0x3;
	s11 =	sadd.s32 s13, s12;
	s12 =	sadd.s32 s13, s15  }
0x16: {  	v0 =	vimm.f32 $0.0e+00;
	s15 =	simm.s32 $0x1000;
	s13 =	sadd.s32 s13, s16;
	s16 =	simm.s32 $0x6000  }
.LBB2_1:
0x17: {  	[tilespmem:s2], [sflag:$0x1] =	stream.linear.gather [hbm4b:s4+s2], $0x1000, $0x38;
	[tilespmem:$0x7400] =	vst v63  }
0x18: {  	s23 =	simm.s32 $0x0;
	s24 =	simm.s32 $0x200  }
0x19: {  	[tilespmem:s15], [sflag:$0x1] =	stream.linear.gather [hbm4b:s5+s2], $0x1000, $0x38;
	[tilespmem:$0x7400] =	vst v63  }
.LBB2_2:
0x1a: {  	p0 =	sne.s32 s24, $0x4E00;
	[tilespmem:s23+$0x6070] =	vst v0  }
0x1b: {  	[tilespmem:s23+$0x6000] =	vst v0  }
0x1c: {  	[tilespmem:s23+$0x6010] =	vst v0  }
.Ltmp0:
0x1d: {  	[tilespmem:s23+$0x6020] =	vst v0;
	(pc) =	sbr.rel @p0 .LBB2_2-.Ltmp0, $4  }
0x1e: {  	[tilespmem:s23+$0x6030] =	vst v0  }
0x1f: {  	[tilespmem:s23+$0x6040] =	vst v0  }
0x20: {  	[tilespmem:s23+$0x6050] =	vst v0  }
0x21: {  	[tilespmem:s23+$0x6060] =	vst v0;
	s23 =	sshra.s32 s24, $0x2;
	s24 =	sadd.s32 $0x200, s24  }
0x22: {  	[tilespmem:s23+$0x6070] =	vst v0  }
0x23: {  	[tilespmem:s23+$0x6000] =	vst v0  }
0x24: {  	[tilespmem:s23+$0x6010] =	vst v0  }
0x25: {  	[tilespmem:s23+$0x6020] =	vst v0  }
0x26: {  	[tilespmem:s23+$0x6030] =	vst v0  }
0x27: {  	[tilespmem:s23+$0x6040] =	vst v0  }
0x28: {  	[tilespmem:s23+$0x6050] =	vst v0  }
0x29: {  	[tilespmem:s23+$0x6060] =	vst v0;
	s31 =	simm.s32 $0x0  }
0x2a: {  	[hbm4b:s6+s31] =	stream.linear.scatter [tilespmem:s16], [sflag:$0x2], $0x1388, $0x38;
	[tilespmem:$0x7400] =	vst v63  }
0x2b: {  	_ = 	snop  }
0x2c: {  	[hbm4b:s7+s31] =	stream.linear.scatter [tilespmem:s16], [sflag:$0x2], $0x1388, $0x38;
	[tilespmem:$0x7400] =	vst v63  }
0x2d: {  	_ = 	snop  }
0x2e: {  	[hbm4b:s8+s31] =	stream.linear.scatter [tilespmem:s16], [sflag:$0x2], $0x1388, $0x38;
	[tilespmem:$0x7400] =	vst v63  }
0x2f: {  	_ = 	snop  }
0x30: {  	[hbm4b:s9+s31] =	stream.linear.scatter [tilespmem:s16], [sflag:$0x2], $0x1388, $0x38;
	[tilespmem:$0x7400] =	vst v63  }
0x31: {  	_ =	swait.ge [sflag:s3], $0x1000  }
0x32: {  	[sflag:s3] =	ssyncset.done $0x0  }
0x33: {  	[sflag:s3] =	ssyncadd.s32 $0xFFFFF000  }
0x34: {  	_ =	swait.ge [sflag:s3], $0x1000  }
0x35: {  	[sflag:s3] =	ssyncset.done $0x0  }
0x36: {  	s23 =	simm.s32 $0x0;
	[sflag:s3] =	ssyncadd.s32 $0xFFFFF000  }
0x37: {  	v1 =	vld [tilespmem:s23+$0x70]  }
0x38: {  	v3 =	vld [tilespmem:s23+$0x1070]  }
0x39: {  	v2 =	vld [tilespmem:s23+$0x0]  }
0x3a: {  	v4 =	vld [tilespmem:s23+$0x10]  }
0x3b: {  	v5 =	vld [tilespmem:s23+$0x20]  }
0x3c: {  	v6 =	vld [tilespmem:s23+$0x30]  }
0x3d: {  	v7 =	vld [tilespmem:s23+$0x40]  }
0x3e: {  	v9 =	vld [tilespmem:s23+$0x50];
	vm0 =	veq.s32 v1, $0x3  }
0x3f: {  	v10 =	vld [tilespmem:s23+$0x1010];
	vm1 =	veq.s32 v1, $0x0;
	vm12 =	veq.s32 v2, $0x0;
	vm2 =	veq.s32 v2, $0x1  }
0x40: {  	v11 =	vld [tilespmem:s23+$0x1020];
	vm13 =	veq.s32 v2, $0x2;
	vm14 =	veq.s32 v2, $0x3;
	vm15 =	veq.s32 v4, $0x0  }
0x41: {  	v13 =	vld [tilespmem:s23+$0x1030];
	vm4 =	veq.s32 v4, $0x1;
	vm5 =	veq.s32 v4, $0x2;
	vm6 =	veq.s32 v4, $0x3  }
0x42: {  	v17 =	vld [tilespmem:s23+$0x60];
	vm7 =	veq.s32 v5, $0x0;
	vm8 =	veq.s32 v5, $0x1;
	v8 =	vnsel vm0, $0x0, v3  }
0x43: {  	v18 =	vld [tilespmem:s23+$0x1040];
	vm9 =	veq.s32 v5, $0x2;
	vm10 =	veq.s32 v5, $0x3;
	v12 =	vnsel vm1, $0x0, v3;
	[tilespmem:s23+$0x5070] =	vst v8  }
0x44: {  	v19 =	vld [tilespmem:s23+$0x1050];
	vm11 =	veq.s32 v6, $0x0;
	vm0 =	veq.s32 v1, $0x1;
	v16 =	vnsel vm4, $0x0, v10;
	[tilespmem:s23+$0x2070] =	vst v12  }
0x45: {  	v4 =	vld [tilespmem:s23+$0x1060];
	v20 =	vnsel vm5, $0x0, v10;
	v21 =	vnsel vm7, $0x0, v11;
	v22 =	vnsel vm8, $0x0, v11;
	[tilespmem:s23+$0x3010] =	vst v16  }
0x46: {  	v5 =	vnsel vm10, $0x0, v11;
	v23 =	vnsel vm11, $0x0, v13;
	vm4 =	veq.s32 v7, $0x1;
	v8 =	vld [tilespmem:s23+$0x1000];
	[tilespmem:s23+$0x4010] =	vst v20  }
0x47: {  	vm5 =	veq.s32 v7, $0x2;
	vm7 =	veq.s32 v9, $0x0;
	vm8 =	veq.s32 v9, $0x1;
	[tilespmem:s23+$0x2020] =	vst v21  }
0x48: {  	vm10 =	veq.s32 v9, $0x3;
	vm11 =	veq.s32 v17, $0x0;
	v12 =	vnsel vm15, $0x0, v10;
	[tilespmem:s23+$0x3020] =	vst v22  }
0x49: {  	v10 =	vnsel vm6, $0x0, v10;
	vm15 =	veq.s32 v7, $0x0;
	vm6 =	veq.s32 v7, $0x3;
	[tilespmem:s23+$0x2010] =	vst v12  }
0x4a: {  	[tilespmem:s23+$0x5010] =	vst v10;
	v12 =	vnsel vm6, $0x0, v18;
	v10 =	vnsel vm8, $0x0, v19;
	v7 =	vnsel vm11, $0x0, v4  }
0x4b: {  	[tilespmem:s23+$0x5020] =	vst v5;
	v14 =	vnsel vm12, $0x0, v8;
	v15 =	vnsel vm2, $0x0, v8;
	v2 =	vnsel vm13, $0x0, v8  }
0x4c: {  	[tilespmem:s23+$0x2030] =	vst v23;
	v8 =	vnsel vm14, $0x0, v8;
	vm12 =	veq.s32 v6, $0x1;
	vm13 =	veq.s32 v6, $0x2  }
0x4d: {  	vm14 =	veq.s32 v6, $0x3;
	[tilespmem:s23+$0x4000] =	vst v2;
	v2 =	vnsel vm9, $0x0, v11;
	v24 =	vnsel vm12, $0x0, v13  }
0x4e: {  	[tilespmem:s23+$0x2000] =	vst v14;
	v25 =	vnsel vm13, $0x0, v13;
	v16 =	vnsel vm14, $0x0, v13;
	v13 =	vnsel vm15, $0x0, v18  }
0x4f: {  	[tilespmem:s23+$0x3000] =	vst v15;
	v15 =	vnsel vm4, $0x0, v18;
	v14 =	vnsel vm5, $0x0, v18;
	v11 =	vnsel vm7, $0x0, v19  }
0x50: {  	[tilespmem:s23+$0x5000] =	vst v8;
	vm9 =	veq.s32 v9, $0x2;
	v8 =	vnsel vm10, $0x0, v19;
	vm12 =	veq.s32 v17, $0x1  }
0x51: {  	vm13 =	veq.s32 v17, $0x2;
	vm14 =	veq.s32 v1, $0x2;
	vm15 =	veq.s32 v17, $0x3;
	[tilespmem:s23+$0x4020] =	vst v2  }
0x52: {  	v9 =	vnsel vm9, $0x0, v19;
	v6 =	vnsel vm12, $0x0, v4;
	v5 =	vnsel vm13, $0x0, v4;
	[tilespmem:s23+$0x3030] =	vst v24  }
0x53: {  	s24 =	simm.s32 $0x80;
	s25 =	simm.s32 $0x400;
	v4 =	vnsel vm15, $0x0, v4;
	v2 =	vnsel vm0, $0x0, v3;
	v1 =	vnsel vm14, $0x0, v3;
	[tilespmem:s23+$0x4030] =	vst v25  }
.LBB2_4:
0x54: {  	v17 =	vld [tilespmem:s24+$0x70]  }
0x55: {  	[tilespmem:s23+$0x5030] =	vst v16  }
0x56: {  	v3 =	vld [tilespmem:s24+$0x1070];
	[tilespmem:s23+$0x2040] =	vst v13  }
0x57: {  	v13 =	vld [tilespmem:s24+$0x0]  }
0x58: {  	[tilespmem:s23+$0x3040] =	vst v15  }
0x59: {  	v16 =	vimm.s32 $0x0;
	v15 =	vld [tilespmem:s24+$0x10];
	[tilespmem:s23+$0x4040] =	vst v14;
	vm0 =	veq.s32 v17, $0x0;
	vm1 =	veq.s32 v17, $0x1  }
0x5a: {  	v14 =	vld [tilespmem:s24+$0x20];
	[tilespmem:s23+$0x5040] =	vst v12;
	vm9 =	veq.s32 v17, $0x3;
	vm10 =	veq.s32 v17, $0x2;
	v17 =	vimm.s32 $0x0  }
0x5b: {  	v12 =	vld [tilespmem:s24+$0x30];
	[tilespmem:s23+$0x2050] =	vst v11;
	v16 =	vsel vm1, $0xFFFFFFFF, v16;
	v17 =	vsel vm10, $0xFFFFFFFF, v17  }
0x5c: {  	v11 =	vld [tilespmem:s24+$0x40];
	[tilespmem:s23+$0x3050] =	vst v10;
	v10 =	vimm.s32 $0x0;
	vm14 =	veq.s32 v13, $0x0;
	vm11 =	veq.s32 v13, $0x1  }
0x5d: {  	[tilespmem:$0x1FFE0] =	vst v16;
	vm12 =	veq.s32 v13, $0x2;
	vm13 =	veq.s32 v13, $0x3;
	v13 =	vimm.s32 $0x0  }
0x5e: {  	[tilespmem:$0x1FFF0] =	vst v17;
	v17 =	vnsel vm9, $0x0, v3;
	v10 =	vsel vm11, $0xFFFFFFFF, v10;
	v13 =	vsel vm13, $0xFFFFFFFF, v13  }
0x5f: {  	[tilespmem:s24+$0x5070] =	vst v17;
	vm15 =	veq.s32 v15, $0x0;
	vm4 =	veq.s32 v15, $0x1;
	vm5 =	veq.s32 v15, $0x2  }
0x60: {  	vm6 =	veq.s32 v15, $0x3;
	v15 =	vimm.s32 $0x0;
	[tilespmem:$0x1FF20] =	vst v10;
	v10 =	vimm.s32 $0x0  }
0x61: {  	[tilespmem:$0x1FF40] =	vst v13;
	v13 =	vimm.s32 $0x0;
	v15 =	vsel vm6, $0xFFFFFFFF, v15;
	vm7 =	veq.s32 v14, $0x0  }
0x62: {  	vm8 =	veq.s32 v14, $0x1;
	vm9 =	veq.s32 v14, $0x2;
	v10 =	vsel vm12, $0xFFFFFFFF, v10;
	[tilespmem:$0x1FF80] =	vst v15  }
0x63: {  	vm10 =	veq.s32 v14, $0x3;
	v14 =	vimm.s32 $0x0;
	v13 =	vsel vm15, $0xFFFFFFFF, v13;
	[tilespmem:$0x1FF30] =	vst v10  }
0x64: {  	v15 =	vimm.s32 $0x0;
	v14 =	vsel vm10, $0xFFFFFFFF, v14;
	[tilespmem:$0x1FF50] =	vst v13  }
0x65: {  	v13 =	vimm.s32 $0x0;
	v15 =	vsel vm7, $0xFFFFFFFF, v15;
	[tilespmem:$0x1FFC0] =	vst v14  }
0x66: {  	v10 =	vld [tilespmem:s24+$0x50];
	v13 =	vsel vm4, $0xFFFFFFFF, v13;
	[tilespmem:$0x1FF90] =	vst v15  }
0x67: {  	[tilespmem:$0x1FF60] =	vst v13  }
0x68: {  	v17 =	vimm.s32 $0x0;
	v13 =	vld [tilespmem:s24+$0x60];
	[tilespmem:s23+$0x4050] =	vst v9  }
0x69: {  	v17 =	vsel vm5, $0xFFFFFFFF, v17;
	v9 =	vld [tilespmem:s24+$0x1000];
	[tilespmem:s23+$0x5050] =	vst v8  }
0x6a: {  	vm11 =	veq.s32 v12, $0x2;
	v14 =	vimm.s32 $0x0;
	v15 =	vimm.s32 $0x0;
	v8 =	vld [tilespmem:s24+$0x1010];
	[tilespmem:s23+$0x2060] =	vst v7  }
0x6b: {  	[tilespmem:$0x1FF70] =	vst v17;
	v14 =	vsel vm11, $0xFFFFFFFF, v14;
	v15 =	vsel vm8, $0xFFFFFFFF, v15;
	v7 =	vld [tilespmem:s24+$0x1020];
	vm11 =	veq.s32 v10, $0x0  }
0x6c: {  	[tilespmem:s23+$0x3060] =	vst v6;
	vm4 =	veq.s32 v10, $0x1;
	vm3 =	veq.s32 v10, $0x2;
	vm8 =	veq.s32 v10, $0x3;
	v10 =	vld [tilespmem:$0x1FF20]  }
0x6d: {  	v6 =	vld [tilespmem:s24+$0x1030];
	[tilespmem:s23+$0x4060] =	vst v5  }
0x6e: {  	v16 =	vnsel vm0, $0x0, v3;
	v5 =	vld [tilespmem:s24+$0x1040];
	[tilespmem:s23+$0x5060] =	vst v4  }
0x6f: {  	v4 =	vld [tilespmem:s24+$0x1050];
	[tilespmem:s24+$0x2070] =	vst v16  }
0x70: {  	v17 =	vld [tilespmem:s24+$0x1060];
	[tilespmem:s23+$0x3070] =	vst v2  }
0x71: {  	v2 =	vnsel vm14, $0x0, v9;
	[tilespmem:s23+$0x4070] =	vst v1;
	s23 =	smov.u32 s24;
	v1 =	vld [tilespmem:$0x1FF30]  }
0x72: {  	[tilespmem:s23+$0x2000] =	vst v2;
	v2 =	vld [tilespmem:$0x1FF40];
	_ =	sdelay $0x2  }
0x73: {  	vm14 =	vnez.u8 v10  }
0x74: {  	v10 =	vnsel vm14, $0x0, v9;
	vm14 =	vnez.u8 v1  }
0x75: {  	v1 =	vnsel vm14, $0x0, v9;
	vm14 =	vnez.u8 v2  }
0x76: {  	v2 =	vnsel vm14, $0x0, v9;
	v9 =	vld [tilespmem:$0x1FF50]  }
0x77: {  	vm12 =	veq.s32 v12, $0x0;
	vm10 =	veq.s32 v11, $0x0;
	vm15 =	veq.s32 v11, $0x1;
	[tilespmem:s23+$0x3000] =	vst v10;
	v10 =	vld [tilespmem:$0x1FF60]  }
0x78: {  	vm6 =	veq.s32 v11, $0x2;
	vm7 =	veq.s32 v11, $0x3;
	v11 =	vld [tilespmem:$0x1FF70];
	[tilespmem:$0x1FFA0] =	vst v15;
	v15 =	vimm.s32 $0x0  }
0x79: {  	vm13 =	veq.s32 v12, $0x1;
	v15 =	vsel vm9, $0xFFFFFFFF, v15;
	vm9 =	veq.s32 v12, $0x3;
	v12 =	vld [tilespmem:$0x1FF80];
	_ =	sdelay $0x1  }
0x7a: {  	vm14 =	vnez.u8 v9  }
0x7b: {  	v9 =	vnsel vm14, $0x0, v8;
	vm14 =	vnez.u8 v10  }
0x7c: {  	[tilespmem:s23+$0x4000] =	vst v1;
	v1 =	vld [tilespmem:$0x1FF90];
	v10 =	vnsel vm14, $0x0, v8;
	vm14 =	vnez.u8 v11  }
0x7d: {  	v11 =	vnsel vm14, $0x0, v8;
	vm14 =	vnez.u8 v12;
	v12 =	vld [tilespmem:$0x1FFA0];
	_ =	sdelay $0x3  }
0x7e: {  	[tilespmem:$0x1FFB0] =	vst v15;
	v8 =	vnsel vm14, $0x0, v8;
	vm14 =	vnez.u8 v1  }
0x7f: {  	v1 =	vnsel vm14, $0x0, v7;
	vm14 =	vnez.u8 v12;
	v12 =	vld [tilespmem:$0x1FFB0]  }
0x80: {  	[tilespmem:s23+$0x5000] =	vst v2;
	v2 =	vld [tilespmem:$0x1FFC0]  }
0x81: {  	[tilespmem:s23+$0x2020] =	vst v1;
	v1 =	vld [tilespmem:$0x1FFE0]  }
0x82: {  	[tilespmem:$0x1FFD0] =	vst v14;
	v21 =	vnsel vm12, $0x0, v6  }
0x83: {  	vm2 =	veq.s32 v13, $0x0;
	v22 =	vnsel vm13, $0x0, v6;
	[tilespmem:s23+$0x2030] =	vst v21  }
0x84: {  	vm1 =	veq.s32 v13, $0x1;
	[tilespmem:s23+$0x3030] =	vst v22;
	v18 =	vnsel vm14, $0x0, v7;
	vm14 =	vnez.u8 v12  }
0x85: {  	vm5 =	veq.s32 v13, $0x2;
	[tilespmem:s23+$0x2010] =	vst v9;
	v19 =	vnsel vm14, $0x0, v7;
	vm14 =	vnez.u8 v2;
	v2 =	vld [tilespmem:$0x1FFD0]  }
0x86: {  	vm0 =	veq.s32 v13, $0x3;
	[tilespmem:s23+$0x3010] =	vst v10;
	v20 =	vnsel vm14, $0x0, v7;
	vm14 =	vnez.u8 v1;
	v1 =	vld [tilespmem:$0x1FFF0]  }
0x87: {  	p0 =	sne.s32 s25, $0x3E00;
	v16 =	vnsel vm9, $0x0, v6;
	v13 =	vnsel vm10, $0x0, v5;
	v15 =	vnsel vm15, $0x0, v5;
	[tilespmem:s23+$0x4010] =	vst v11  }
.Ltmp1:
0x88: {  	v14 =	vnsel vm6, $0x0, v5;
	v9 =	vnsel vm3, $0x0, v4;
	v10 =	vnsel vm4, $0x0, v4;
	[tilespmem:s23+$0x5010] =	vst v8;
	(pc) =	sbr.rel @p0 .LBB2_4-.Ltmp1, $4  }
0x89: {  	v11 =	vnsel vm11, $0x0, v4;
	v8 =	vnsel vm8, $0x0, v4;
	v4 =	vnsel vm0, $0x0, v17;
	[tilespmem:s23+$0x3020] =	vst v18  }
0x8a: {  	v12 =	vnsel vm7, $0x0, v5;
	v5 =	vnsel vm5, $0x0, v17;
	[tilespmem:s23+$0x4020] =	vst v19;
	vm12 =	vnez.u8 v2  }
0x8b: {  	v7 =	vnsel vm2, $0x0, v17;
	[tilespmem:s23+$0x5020] =	vst v20;
	v23 =	vnsel vm12, $0x0, v6;
	vm15 =	vnez.u8 v1  }
0x8c: {  	s24 =	sshra.s32 s25, $0x2;
	s25 =	sadd.s32 $0x200, s25;
	v2 =	vnsel vm14, $0x0, v3;
	v6 =	vnsel vm1, $0x0, v17;
	v1 =	vnsel vm15, $0x0, v3;
	[tilespmem:s23+$0x4030] =	vst v23  }
0x8d: {  	v3 =	vld [tilespmem:s24+$0x70];
	[tilespmem:s23+$0x5030] =	vst v16  }
0x8e: {  	v16 =	vld [tilespmem:s24+$0x1070];
	[tilespmem:s23+$0x2040] =	vst v13  }
0x8f: {  	v13 =	vld [tilespmem:s24+$0x0];
	[tilespmem:s23+$0x3040] =	vst v15  }
0x90: {  	v15 =	vld [tilespmem:s24+$0x10];
	[tilespmem:s23+$0x4040] =	vst v14  }
0x91: {  	v14 =	vld [tilespmem:s24+$0x20];
	[tilespmem:s23+$0x5040] =	vst v12  }
0x92: {  	v12 =	vld [tilespmem:s24+$0x30];
	[tilespmem:s23+$0x2050] =	vst v11;
	vm0 =	veq.s32 v3, $0x3  }
0x93: {  	v11 =	vld [tilespmem:s24+$0x40];
	[tilespmem:s23+$0x3050] =	vst v10;
	v60 =	vnsel vm0, $0x0, v16  }
0x94: {  	v17 =	vld [tilespmem:s24+$0x50];
	[tilespmem:s24+$0x5070] =	vst v60  }
0x95: {  	v61 =	vld [tilespmem:s24+$0x60];
	[tilespmem:s23+$0x4050] =	vst v9  }
0x96: {  	v9 =	vld [tilespmem:s24+$0x1000];
	[tilespmem:s23+$0x5050] =	vst v8  }
0x97: {  	v8 =	vld [tilespmem:s24+$0x1010];
	[tilespmem:s23+$0x2060] =	vst v7  }
0x98: {  	v7 =	vld [tilespmem:s24+$0x1020];
	[tilespmem:s23+$0x3060] =	vst v6  }
0x99: {  	vm9 =	veq.s32 v3, $0x0;
	v6 =	vld [tilespmem:s24+$0x1030];
	[tilespmem:s23+$0x4060] =	vst v5  }
0x9a: {  	v62 =	vnsel vm9, $0x0, v16;
	v5 =	vld [tilespmem:s24+$0x1040];
	[tilespmem:s23+$0x5060] =	vst v4  }
0x9b: {  	v18 =	vld [tilespmem:s24+$0x1050];
	[tilespmem:s24+$0x2070] =	vst v62  }
0x9c: {  	vm10 =	veq.s32 v13, $0x0;
	v63 =	vld [tilespmem:s24+$0x1060];
	[tilespmem:s23+$0x3070] =	vst v2  }
0x9d: {  	vm11 =	veq.s32 v13, $0x1;
	v2 =	vnsel vm10, $0x0, v9;
	[tilespmem:s23+$0x4070] =	vst v1  }
0x9e: {  	vm12 =	veq.s32 v13, $0x2;
	v1 =	vnsel vm11, $0x0, v9;
	[tilespmem:s24+$0x2000] =	vst v2  }
0x9f: {  	vm13 =	veq.s32 v13, $0x3;
	v2 =	vnsel vm12, $0x0, v9;
	[tilespmem:s24+$0x3000] =	vst v1  }
0xa0: {  	vm14 =	veq.s32 v15, $0x0;
	v1 =	vnsel vm13, $0x0, v9;
	[tilespmem:s24+$0x4000] =	vst v2  }
0xa1: {  	vm15 =	veq.s32 v15, $0x1;
	v2 =	vnsel vm14, $0x0, v8;
	[tilespmem:s24+$0x5000] =	vst v1  }
0xa2: {  	vm4 =	veq.s32 v15, $0x2;
	v1 =	vnsel vm15, $0x0, v8;
	[tilespmem:s24+$0x2010] =	vst v2  }
0xa3: {  	vm5 =	veq.s32 v15, $0x3;
	v2 =	vnsel vm4, $0x0, v8;
	[tilespmem:s24+$0x3010] =	vst v1  }
0xa4: {  	vm6 =	veq.s32 v14, $0x0;
	v1 =	vnsel vm5, $0x0, v8;
	[tilespmem:s24+$0x4010] =	vst v2  }
0xa5: {  	vm7 =	veq.s32 v14, $0x1;
	v2 =	vnsel vm6, $0x0, v7;
	[tilespmem:s24+$0x5010] =	vst v1  }
0xa6: {  	vm8 =	veq.s32 v14, $0x2;
	v1 =	vnsel vm7, $0x0, v7;
	[tilespmem:s24+$0x2020] =	vst v2  }
0xa7: {  	vm9 =	veq.s32 v14, $0x3;
	v2 =	vnsel vm8, $0x0, v7;
	[tilespmem:s24+$0x3020] =	vst v1  }
0xa8: {  	vm10 =	veq.s32 v12, $0x0;
	v1 =	vnsel vm9, $0x0, v7;
	[tilespmem:s24+$0x4020] =	vst v2  }
0xa9: {  	vm11 =	veq.s32 v12, $0x1;
	v2 =	vnsel vm10, $0x0, v6;
	[tilespmem:s24+$0x5020] =	vst v1  }
0xaa: {  	vm12 =	veq.s32 v12, $0x2;
	v1 =	vnsel vm11, $0x0, v6;
	[tilespmem:s24+$0x2030] =	vst v2  }
0xab: {  	vm13 =	veq.s32 v12, $0x3;
	v2 =	vnsel vm12, $0x0, v6;
	[tilespmem:s24+$0x3030] =	vst v1  }
0xac: {  	vm14 =	veq.s32 v11, $0x0;
	v1 =	vnsel vm13, $0x0, v6;
	[tilespmem:s24+$0x4030] =	vst v2  }
0xad: {  	vm15 =	veq.s32 v11, $0x1;
	v2 =	vnsel vm14, $0x0, v5;
	[tilespmem:s24+$0x5030] =	vst v1  }
0xae: {  	vm4 =	veq.s32 v11, $0x2;
	v1 =	vnsel vm15, $0x0, v5;
	[tilespmem:s24+$0x2040] =	vst v2  }
0xaf: {  	vm5 =	veq.s32 v11, $0x3;
	v2 =	vnsel vm4, $0x0, v5;
	[tilespmem:s24+$0x3040] =	vst v1  }
0xb0: {  	vm6 =	veq.s32 v17, $0x0;
	v1 =	vnsel vm5, $0x0, v5;
	[tilespmem:s24+$0x4040] =	vst v2  }
0xb1: {  	vm7 =	veq.s32 v17, $0x1;
	v2 =	vnsel vm6, $0x0, v18;
	[tilespmem:s24+$0x5040] =	vst v1  }
0xb2: {  	vm8 =	veq.s32 v17, $0x2;
	v1 =	vnsel vm7, $0x0, v18;
	[tilespmem:s24+$0x2050] =	vst v2  }
0xb3: {  	vm9 =	veq.s32 v17, $0x3;
	v2 =	vnsel vm8, $0x0, v18;
	[tilespmem:s24+$0x3050] =	vst v1  }
0xb4: {  	vm10 =	veq.s32 v61, $0x0;
	v1 =	vnsel vm9, $0x0, v18;
	[tilespmem:s24+$0x4050] =	vst v2  }
0xb5: {  	vm11 =	veq.s32 v61, $0x1;
	v2 =	vnsel vm10, $0x0, v63;
	[tilespmem:s24+$0x5050] =	vst v1  }
0xb6: {  	vm12 =	veq.s32 v61, $0x2;
	v1 =	vnsel vm11, $0x0, v63;
	[tilespmem:s24+$0x2060] =	vst v2  }
0xb7: {  	vm13 =	veq.s32 v61, $0x3;
	v2 =	vnsel vm12, $0x0, v63;
	[tilespmem:s24+$0x3060] =	vst v1  }
0xb8: {  	vm14 =	veq.s32 v3, $0x1;
	v1 =	vnsel vm13, $0x0, v63;
	[tilespmem:s24+$0x4060] =	vst v2  }
0xb9: {  	vm15 =	veq.s32 v3, $0x2;
	v2 =	vnsel vm14, $0x0, v16;
	[tilespmem:s24+$0x5060] =	vst v1  }
0xba: {  	v1 =	vnsel vm15, $0x0, v16;
	[tilespmem:s24+$0x3070] =	vst v2  }
0xbb: {  	[tilespmem:s24+$0x4070] =	vst v1  }
0xbc: {  	[hbm4b:s10+s2] =	stream.linear.scatter [tilespmem:s17], [sflag:$0x2], $0x1000, $0x38;
	[tilespmem:$0x7400] =	vst v63  }
0xbd: {  	_ = 	snop  }
0xbe: {  	[hbm4b:s11+s2] =	stream.linear.scatter [tilespmem:s18], [sflag:$0x2], $0x1000, $0x38;
	[tilespmem:$0x7400] =	vst v63  }
0xbf: {  	_ = 	snop  }
0xc0: {  	[hbm4b:s12+s2] =	stream.linear.scatter [tilespmem:s19], [sflag:$0x2], $0x1000, $0x38;
	[tilespmem:$0x7400] =	vst v63  }
0xc1: {  	_ = 	snop  }
0xc2: {  	[hbm4b:s13+s2] =	stream.linear.scatter [tilespmem:s20], [sflag:$0x2], $0x1000, $0x38;
	[tilespmem:$0x7400] =	vst v63  }
0xc3: {  	_ =	swait.ge [sflag:s21], $0x1388  }
0xc4: {  	[sflag:s21] =	ssyncset.done $0x0  }
0xc5: {  	[sflag:s21] =	ssyncadd.s32 $0xFFFFEC78  }
0xc6: {  	_ =	swait.ge [sflag:s21], $0x1388  }
0xc7: {  	[sflag:s21] =	ssyncset.done $0x0  }
0xc8: {  	[sflag:s21] =	ssyncadd.s32 $0xFFFFEC78  }
0xc9: {  	_ =	swait.ge [sflag:s21], $0x1388  }
0xca: {  	[sflag:s21] =	ssyncset.done $0x0  }
0xcb: {  	[sflag:s21] =	ssyncadd.s32 $0xFFFFEC78  }
0xcc: {  	_ =	swait.ge [sflag:s21], $0x1388  }
0xcd: {  	[sflag:s21] =	ssyncset.done $0x0  }
0xce: {  	[sflag:s21] =	ssyncadd.s32 $0xFFFFEC78  }
0xcf: {  	_ =	swait.ge [sflag:s21], $0x1000  }
0xd0: {  	[sflag:s21] =	ssyncset.done $0x0  }
0xd1: {  	[sflag:s21] =	ssyncadd.s32 $0xFFFFF000  }
0xd2: {  	_ =	swait.ge [sflag:s21], $0x1000  }
0xd3: {  	[sflag:s21] =	ssyncset.done $0x0  }
0xd4: {  	s22 =	sadd.s32 $0x1, s22;
	[sflag:s21] =	ssyncadd.s32 $0xFFFFF000  }
0xd5: {  	p0 =	sne.s32 s22, s14;
	_ =	swait.ge [sflag:s21], $0x1000  }
.Ltmp2:
0xd6: {  	[sflag:s21] =	ssyncset.done $0x0;
	(pc) =	sbr.rel @p0 .LBB2_1-.Ltmp2, $4  }
0xd7: {  	[sflag:s21] =	ssyncadd.s32 $0xFFFFF000  }
0xd8: {  	_ =	swait.ge [sflag:s21], $0x1000  }
0xd9: {  	[sflag:s21] =	ssyncset.done $0x0  }
0xda: {  	[sflag:s21] =	ssyncadd.s32 $0xFFFFF000  }
0xdb: {  	_ =	sfence.sel $0x180000  }
0xdc: {  	[bflag:$0x0] =	sbarrier.arrive $0xFFFF  }
0xdd: {  	p0 =	sne.s32 s0, $0x0;
	_ =	strace $0x90000047  }
0xde: {  	s0 =	sadd.s32 @!p0 $0x100000, s1;
	[bflag:$0x2] =	sbarrier.arrive $0xFFFF  }
0xdf: {  	[sflag:s0] =	ssyncadd.tile.s32 @!p0 $0x1;
	_ =	shalt  }
.Lfunc_end2:
_tile_overlayer_lowered:
.L_overlay_start_2:
0xe0: {  	(tag) =	ssettag $0x2  }
0xe1: {  	s0 =	rddreg [dreg:$0x0];
	s2 =	stileid.u32  }
0xe2: {  	s1 =	rddreg [dreg:$0x1];
	p0 =	sne.s32 s2, $0x0  }
0xe3: {  	s3 =	rddreg [dreg:$0x2];
	[bflag:$0x3] =	sbarrier.arrive $0xFFFF;
	s2 =	simm.s32 @!p0 $0x1C03  }
0xe4: {  	[timem:s3], [sflag:s2] =	dma.local @!p0 [hbm:s0], s1  }
0xe5: {  	s0 =	simm.s32 @!p0 $0x3  }
0xe6: {  	_ =	swait.ge @!p0 [sflag:s0], s1  }
0xe7: {  	s1 =	ssub.s32 @!p0 $0x0, s1;
	[sflag:s0] =	ssyncset.done @!p0 $0x0  }
0xe8: {  	[sflag:s0] =	ssyncadd.s32 @!p0 s1  }
0xe9: {  	[bflag:$0x3] =	sbarrier.arrive $0xFFFF  }
0xea: {  	_ =	shalt  }

</sc_bundles>
